<compile_context>
chip_gen: v7x
topology: tpu7x:2x2x1
jax: 0.10.2.dev20260603
libtpu: 0.0.44.dev20260713+nightly
codegen_flags: <defaults>
</compile_context>

<pallas_src>
import functools

import jax
import jax.numpy as jnp
from jax import lax
from jax.experimental import pallas as pl
from jax.experimental.pallas import tpu as pltpu
from jax.experimental.pallas import tpu_sc as plsc

V = 100000
D = 128
CTX = 16384
NW = 32
ROWS_PER_W = CTX // NW
CHUNK = 128
NCHUNK = ROWS_PER_W // CHUNK
LANES = 16
NVEC = D // LANES

BLK = 25600
NB = (V + BLK - 1) // BLK


def _sc_gather_sum(idx2d, table):
    mesh = plsc.VectorSubcoreMesh(core_axis_name="c", subcore_axis_name="s")

    @functools.partial(
        pl.kernel,
        out_type=jax.ShapeDtypeStruct((NW, D), jnp.float32),
        mesh=mesh,
        scratch_types=[
            pltpu.VMEM((NCHUNK, CHUNK), jnp.int32),
            pltpu.VMEM((NCHUNK, CHUNK, D), jnp.float32),
            pltpu.VMEM((D,), jnp.float32),
            pltpu.SemaphoreType.DMA,
        ],
    )
    def k(idx_hbm, table_hbm, out_hbm, idx_v, rows_v, acc_v, sem):
        wid = lax.axis_index("s") * 2 + lax.axis_index("c")
        pltpu.sync_copy(idx_hbm.at[pl.ds(wid * NCHUNK, NCHUNK)], idx_v)
        copies = [
            pltpu.async_copy(table_hbm.at[idx_v.at[c]], rows_v.at[c], sem)
            for c in range(NCHUNK)
        ]

        def outer(acc, c):
            def body(i, acc):
                return tuple(
                    acc[j] + rows_v[c, i, pl.ds(j * LANES, LANES)]
                    for j in range(NVEC)
                )
            return lax.fori_loop(0, CHUNK, body, acc, unroll=4)

        acc = tuple(jnp.zeros((LANES,), jnp.float32) for _ in range(NVEC))
        for c in range(NCHUNK):
            copies[c].wait()
            acc = outer(acc, c)
        for j in range(NVEC):
            acc_v[pl.ds(j * LANES, LANES)] = acc[j]
        pltpu.sync_copy(acc_v, out_hbm.at[wid])

    return k(idx2d, table)


def _tc_log_probs(partials, W, b2d):

    def body(part_ref, w_ref, b_ref, out_ref, log_v, m_s, s_s):
        j = pl.program_id(0)

        @pl.when(j == 0)
        def _():
            m_s[0] = -1e30
            s_s[0] = 0.0

        s = jnp.sum(part_ref[...], axis=0, keepdims=True)
        logits = lax.dot_general(
            s, w_ref[...], (((1,), (1,)), ((), ())),
            preferred_element_type=jnp.float32,
        ) + b_ref[...]
        col = j * BLK + lax.broadcasted_iota(jnp.int32, (1, BLK), 1)
        logits = jnp.where(col < V, logits, -1e30)
        log_v[j] = logits

        m_old = m_s[0]
        s_old = s_s[0]
        m_new = jnp.maximum(m_old, jnp.max(logits))
        s_new = s_old * jnp.exp(m_old - m_new) + jnp.sum(jnp.exp(logits - m_new))
        m_s[0] = m_new
        s_s[0] = s_new

        @pl.when(j == NB - 1)
        def _():
            lse = m_new + jnp.log(s_new)
            for k in range(NB):
                width = min(BLK, V - k * BLK)
                out_ref[:, k * BLK:k * BLK + width] = (
                    log_v[k][:, :width] - lse
                )

    return pl.pallas_call(
        body,
        grid=(NB,),
        in_specs=[
            pl.BlockSpec((NW, D), lambda j: (0, 0)),
            pl.BlockSpec((BLK, D), lambda j: (j, 0)),
            pl.BlockSpec((1, BLK), lambda j: (0, j)),
        ],
        out_specs=pl.BlockSpec((1, V), lambda j: (0, 0)),
        out_shape=jax.ShapeDtypeStruct((1, V), jnp.float32),
        scratch_shapes=[
            pltpu.VMEM((NB, 1, BLK), jnp.float32),
            pltpu.SMEM((1,), jnp.float32),
            pltpu.SMEM((1,), jnp.float32),
        ],
    )(partials, W, b2d)


def kernel(inputs, emb_table, W, b):
    idx2d = inputs.astype(jnp.int32).reshape(NW * NCHUNK, CHUNK)
    partials = _sc_gather_sum(idx2d, emb_table)
    return _tc_log_probs(partials, W, b.reshape(1, V))

# --- scband reference (transcript-rebuilt; emitter-appended) ---
"""Pipeline reference for scband-cbow-59700045414629 (READ-ONLY COPY).

The authoritative reference and input builder live on the scoring server;
editing this copy changes nothing except your own understanding.
"""

import jax, jax.numpy as jnp
import numpy as np

VOCAB = 100000
EMBED_DIM = 128
CTX_LEN = 16384

def setup_inputs(seed: int = 0) -> dict:
    key = jax.random.key(seed)
    k1, k2, k3, k4 = jax.random.split(key, 4)
    inputs = jax.random.randint(k1, (CTX_LEN,), 0, VOCAB, dtype=jnp.int64) if jax.config.jax_enable_x64 else jax.random.randint(k1, (CTX_LEN,), 0, VOCAB, dtype=jnp.int32)
    emb_table = jax.random.normal(k2, (VOCAB, EMBED_DIM), dtype=jnp.float32)
    bound = 1.0 / np.sqrt(EMBED_DIM)
    W = jax.random.uniform(k3, (VOCAB, EMBED_DIM), dtype=jnp.float32, minval=-bound, maxval=bound)
    b = jax.random.uniform(k4, (VOCAB,), dtype=jnp.float32, minval=-bound, maxval=bound)
    return {"inputs": inputs, "emb_table": emb_table, "W": W, "b": b}

def reference(inputs, emb_table, W, b):
    # embeds = self.embeddings(inputs)
    embeds = jnp.take(emb_table, inputs, axis=0)            # [CTX_LEN, D]
    # sum_embedding = torch.sum(embeds, dim=0).view(1, -1)
    sum_embedding = jnp.sum(embeds, axis=0).reshape(1, -1)  # [1, D]
    # Linear3 = self.linear(sum_embedding)
    logits = sum_embedding @ W.T + b                        # [1, VOCAB]
    # log_probs = F.log_softmax(Linear3, dim=1)
    log_probs = jax.nn.log_softmax(logits, axis=1)
    return log_probs

if __name__ == "__main__":
    import jax
    _d = setup_inputs()
    print(jax.jit(kernel)(*tuple(_d.values())))

</pallas_src>

<mosaic_0001>
#map = affine_map<(d0, d1) -> (0, 0)>
module attributes {stable_mosaic.version = 14 : i64} {
  func.func @k(%arg0: i32, %arg1: i32, %arg2: memref<128x128xi32, #tpu.memory_space<hbm>>, %arg3: memref<100000x128xf32, #tpu.memory_space<hbm>>, %arg4: memref<32x128xf32, #tpu.memory_space<hbm>>, %arg5: memref<4x128xi32, #tpu.memory_space<vmem>>, %arg6: memref<4x128x128xf32, #tpu.memory_space<vmem>>, %arg7: memref<128xf32, #tpu.memory_space<vmem>>, %arg8: memref<!tpu.dma_semaphore, #tpu.memory_space<semaphore_mem>>) attributes {dimension_semantics = [#tpu.dimension_semantics<core_parallel>, #tpu.dimension_semantics<subcore_parallel>], iteration_bounds = array<i64: 2, 16>, scalar_prefetch = 0 : i64, scratch_operands = 4 : i64, tpu.core_type = #tpu.core_type<sc_vector_subcore>, window_params = [{transform_indices = #map}, {transform_indices = #map}, {transform_indices = #map}]} {
    %mul3A = arith.constant 2 : i32
    %mul3A_0 = arith.muli %arg1, %mul3A : i32
    %add3A = arith.addi %mul3A_0, %arg0 : i32
    %mul3A_1 = arith.constant 4 : i32
    %mul3A_2 = arith.muli %add3A, %mul3A_1 : i32
    "tpu.region"() ({
      %run_scoped3A = tpu.sem_alloc : memref<!tpu.dma_semaphore, #tpu.memory_space<semaphore_mem>>
      %dma_start3A_166 = arith.constant 0 : i32
      %dma_start3A_167 = tpu.memref_slice %arg2[%mul3A_2, %dma_start3A_166] : memref<128x128xi32, #tpu.memory_space<hbm>> -> memref<4x128xi32, #tpu.memory_space<hbm>>
      %dma_start3A_168 = arith.constant 0 : i32
      %dma_start3A_169 = tpu.memref_slice %arg2[%mul3A_2, %dma_start3A_168] : memref<128x128xi32, #tpu.memory_space<hbm>> -> memref<4x128xi32, #tpu.memory_space<hbm>>
      tpu.enqueue_dma source(%dma_start3A_169 : memref<4x128xi32, #tpu.memory_space<hbm>>) target(%arg5 : memref<4x128xi32, #tpu.memory_space<vmem>>) target_semaphore(%run_scoped3A : memref<!tpu.dma_semaphore, #tpu.memory_space<semaphore_mem>>)
      %dma_wait3A_170 = arith.constant 0 : i32
      %dma_wait3A_171 = tpu.memref_slice %arg2[%mul3A_2, %dma_wait3A_170] : memref<128x128xi32, #tpu.memory_space<hbm>> -> memref<4x128xi32, #tpu.memory_space<hbm>>
      %dma_wait3A_172 = arith.constant 0 : i32
      %dma_wait3A_173 = tpu.memref_slice %arg2[%mul3A_2, %dma_wait3A_172] : memref<128x128xi32, #tpu.memory_space<hbm>> -> memref<4x128xi32, #tpu.memory_space<hbm>>
      tpu.wait_dma2 semaphore(%run_scoped3A : memref<!tpu.dma_semaphore, #tpu.memory_space<semaphore_mem>>) src(%dma_wait3A_173 : memref<4x128xi32, #tpu.memory_space<hbm>>) dst(%arg5 : memref<4x128xi32, #tpu.memory_space<vmem>>)
      tpu.yield
    }) : () -> ()
    %dma_start3A = arith.constant 0 : i32
    %dma_start3A_3 = arith.constant 0 : i32
    %dma_start3A_4 = arith.constant 0 : i32
    %dma_start3A_5 = arith.constant 0 : i32
    %dma_start3A_6 = tpu.memref_slice %arg6[%dma_start3A_3, %dma_start3A_4, %dma_start3A_5] : memref<4x128x128xf32, #tpu.memory_space<vmem>> -> memref<1x128x128xf32, #tpu.memory_space<vmem>>
    %dma_start3A_7 = tpu.memref_squeeze %dma_start3A_6 : memref<1x128x128xf32, #tpu.memory_space<vmem>> -> memref<128x128xf32, #tpu.memory_space<vmem>>
    %dma_start3A_8 = arith.constant 0 : i32
    %dma_start3A_9 = tpu.memref_slice %arg5[%dma_start3A, %dma_start3A_8] : memref<4x128xi32, #tpu.memory_space<vmem>> -> memref<1x128xi32, #tpu.memory_space<vmem>>
    %dma_start3A_10 = tpu.memref_squeeze %dma_start3A_9 : memref<1x128xi32, #tpu.memory_space<vmem>> -> memref<128xi32, #tpu.memory_space<vmem>>
    %dma_start3A_11 = arith.constant 0 : i32
    %dma_start3A_12 = arith.constant 0 : i32
    %dma_start3A_13 = tpu.memref_slice %arg3[%dma_start3A_11, %dma_start3A_12] : memref<100000x128xf32, #tpu.memory_space<hbm>> -> memref<100000x128xf32, #tpu.memory_space<hbm>>
    tpu.enqueue_indirect_dma source(%dma_start3A_13 : memref<100000x128xf32, #tpu.memory_space<hbm>>) target(%dma_start3A_7 : memref<128x128xf32, #tpu.memory_space<vmem>>) offsets(%dma_start3A_10 : memref<128xi32, #tpu.memory_space<vmem>>) semaphore(%arg8 : memref<!tpu.dma_semaphore, #tpu.memory_space<semaphore_mem>>)
    %dma_start3A_14 = arith.constant 1 : i32
    %dma_start3A_15 = arith.constant 1 : i32
    %dma_start3A_16 = arith.constant 0 : i32
    %dma_start3A_17 = arith.constant 0 : i32
    %dma_start3A_18 = tpu.memref_slice %arg6[%dma_start3A_15, %dma_start3A_16, %dma_start3A_17] : memref<4x128x128xf32, #tpu.memory_space<vmem>> -> memref<1x128x128xf32, #tpu.memory_space<vmem>>
    %dma_start3A_19 = tpu.memref_squeeze %dma_start3A_18 : memref<1x128x128xf32, #tpu.memory_space<vmem>> -> memref<128x128xf32, #tpu.memory_space<vmem>>
    %dma_start3A_20 = arith.constant 0 : i32
    %dma_start3A_21 = tpu.memref_slice %arg5[%dma_start3A_14, %dma_start3A_20] : memref<4x128xi32, #tpu.memory_space<vmem>> -> memref<1x128xi32, #tpu.memory_space<vmem>>
    %dma_start3A_22 = tpu.memref_squeeze %dma_start3A_21 : memref<1x128xi32, #tpu.memory_space<vmem>> -> memref<128xi32, #tpu.memory_space<vmem>>
    %dma_start3A_23 = arith.constant 0 : i32
    %dma_start3A_24 = arith.constant 0 : i32
    %dma_start3A_25 = tpu.memref_slice %arg3[%dma_start3A_23, %dma_start3A_24] : memref<100000x128xf32, #tpu.memory_space<hbm>> -> memref<100000x128xf32, #tpu.memory_space<hbm>>
    tpu.enqueue_indirect_dma source(%dma_start3A_25 : memref<100000x128xf32, #tpu.memory_space<hbm>>) target(%dma_start3A_19 : memref<128x128xf32, #tpu.memory_space<vmem>>) offsets(%dma_start3A_22 : memref<128xi32, #tpu.memory_space<vmem>>) semaphore(%arg8 : memref<!tpu.dma_semaphore, #tpu.memory_space<semaphore_mem>>)
    %dma_start3A_26 = arith.constant 2 : i32
    %dma_start3A_27 = arith.constant 2 : i32
    %dma_start3A_28 = arith.constant 0 : i32
    %dma_start3A_29 = arith.constant 0 : i32
    %dma_start3A_30 = tpu.memref_slice %arg6[%dma_start3A_27, %dma_start3A_28, %dma_start3A_29] : memref<4x128x128xf32, #tpu.memory_space<vmem>> -> memref<1x128x128xf32, #tpu.memory_space<vmem>>
    %dma_start3A_31 = tpu.memref_squeeze %dma_start3A_30 : memref<1x128x128xf32, #tpu.memory_space<vmem>> -> memref<128x128xf32, #tpu.memory_space<vmem>>
    %dma_start3A_32 = arith.constant 0 : i32
    %dma_start3A_33 = tpu.memref_slice %arg5[%dma_start3A_26, %dma_start3A_32] : memref<4x128xi32, #tpu.memory_space<vmem>> -> memref<1x128xi32, #tpu.memory_space<vmem>>
    %dma_start3A_34 = tpu.memref_squeeze %dma_start3A_33 : memref<1x128xi32, #tpu.memory_space<vmem>> -> memref<128xi32, #tpu.memory_space<vmem>>
    %dma_start3A_35 = arith.constant 0 : i32
    %dma_start3A_36 = arith.constant 0 : i32
    %dma_start3A_37 = tpu.memref_slice %arg3[%dma_start3A_35, %dma_start3A_36] : memref<100000x128xf32, #tpu.memory_space<hbm>> -> memref<100000x128xf32, #tpu.memory_space<hbm>>
    tpu.enqueue_indirect_dma source(%dma_start3A_37 : memref<100000x128xf32, #tpu.memory_space<hbm>>) target(%dma_start3A_31 : memref<128x128xf32, #tpu.memory_space<vmem>>) offsets(%dma_start3A_34 : memref<128xi32, #tpu.memory_space<vmem>>) semaphore(%arg8 : memref<!tpu.dma_semaphore, #tpu.memory_space<semaphore_mem>>)
    %dma_start3A_38 = arith.constant 3 : i32
    %dma_start3A_39 = arith.constant 3 : i32
    %dma_start3A_40 = arith.constant 0 : i32
    %dma_start3A_41 = arith.constant 0 : i32
    %dma_start3A_42 = tpu.memref_slice %arg6[%dma_start3A_39, %dma_start3A_40, %dma_start3A_41] : memref<4x128x128xf32, #tpu.memory_space<vmem>> -> memref<1x128x128xf32, #tpu.memory_space<vmem>>
    %dma_start3A_43 = tpu.memref_squeeze %dma_start3A_42 : memref<1x128x128xf32, #tpu.memory_space<vmem>> -> memref<128x128xf32, #tpu.memory_space<vmem>>
    %dma_start3A_44 = arith.constant 0 : i32
    %dma_start3A_45 = tpu.memref_slice %arg5[%dma_start3A_38, %dma_start3A_44] : memref<4x128xi32, #tpu.memory_space<vmem>> -> memref<1x128xi32, #tpu.memory_space<vmem>>
    %dma_start3A_46 = tpu.memref_squeeze %dma_start3A_45 : memref<1x128xi32, #tpu.memory_space<vmem>> -> memref<128xi32, #tpu.memory_space<vmem>>
    %dma_start3A_47 = arith.constant 0 : i32
    %dma_start3A_48 = arith.constant 0 : i32
    %dma_start3A_49 = tpu.memref_slice %arg3[%dma_start3A_47, %dma_start3A_48] : memref<100000x128xf32, #tpu.memory_space<hbm>> -> memref<100000x128xf32, #tpu.memory_space<hbm>>
    tpu.enqueue_indirect_dma source(%dma_start3A_49 : memref<100000x128xf32, #tpu.memory_space<hbm>>) target(%dma_start3A_43 : memref<128x128xf32, #tpu.memory_space<vmem>>) offsets(%dma_start3A_46 : memref<128xi32, #tpu.memory_space<vmem>>) semaphore(%arg8 : memref<!tpu.dma_semaphore, #tpu.memory_space<semaphore_mem>>)
    %broadcast_in_dim3A = arith.constant 0.000000e+00 : f32
    %broadcast_in_dim3A_50 = vector.broadcast %broadcast_in_dim3A : f32 to vector<16xf32>
    %broadcast_in_dim3A_51 = arith.constant 0.000000e+00 : f32
    %broadcast_in_dim3A_52 = vector.broadcast %broadcast_in_dim3A_51 : f32 to vector<16xf32>
    %broadcast_in_dim3A_53 = arith.constant 0.000000e+00 : f32
    %broadcast_in_dim3A_54 = vector.broadcast %broadcast_in_dim3A_53 : f32 to vector<16xf32>
    %broadcast_in_dim3A_55 = arith.constant 0.000000e+00 : f32
    %broadcast_in_dim3A_56 = vector.broadcast %broadcast_in_dim3A_55 : f32 to vector<16xf32>
    %broadcast_in_dim3A_57 = arith.constant 0.000000e+00 : f32
    %broadcast_in_dim3A_58 = vector.broadcast %broadcast_in_dim3A_57 : f32 to vector<16xf32>
    %broadcast_in_dim3A_59 = arith.constant 0.000000e+00 : f32
    %broadcast_in_dim3A_60 = vector.broadcast %broadcast_in_dim3A_59 : f32 to vector<16xf32>
    %broadcast_in_dim3A_61 = arith.constant 0.000000e+00 : f32
    %broadcast_in_dim3A_62 = vector.broadcast %broadcast_in_dim3A_61 : f32 to vector<16xf32>
    %broadcast_in_dim3A_63 = arith.constant 0.000000e+00 : f32
    %broadcast_in_dim3A_64 = vector.broadcast %broadcast_in_dim3A_63 : f32 to vector<16xf32>
    %dma_wait3A = arith.constant 0 : i32
    %dma_wait3A_65 = arith.constant 0 : i32
    %dma_wait3A_66 = arith.constant 0 : i32
    %dma_wait3A_67 = arith.constant 0 : i32
    %dma_wait3A_68 = tpu.memref_slice %arg6[%dma_wait3A_65, %dma_wait3A_66, %dma_wait3A_67] : memref<4x128x128xf32, #tpu.memory_space<vmem>> -> memref<1x128x128xf32, #tpu.memory_space<vmem>>
    %dma_wait3A_69 = tpu.memref_squeeze %dma_wait3A_68 : memref<1x128x128xf32, #tpu.memory_space<vmem>> -> memref<128x128xf32, #tpu.memory_space<vmem>>
    %dma_wait3A_70 = arith.constant 0 : i32
    %dma_wait3A_71 = tpu.memref_slice %arg5[%dma_wait3A, %dma_wait3A_70] : memref<4x128xi32, #tpu.memory_space<vmem>> -> memref<1x128xi32, #tpu.memory_space<vmem>>
    %dma_wait3A_72 = tpu.memref_squeeze %dma_wait3A_71 : memref<1x128xi32, #tpu.memory_space<vmem>> -> memref<128xi32, #tpu.memory_space<vmem>>
    %dma_wait3A_73 = arith.constant 0 : i32
    %dma_wait3A_74 = arith.constant 0 : i32
    %dma_wait3A_75 = tpu.memref_slice %arg3[%dma_wait3A_73, %dma_wait3A_74] : memref<100000x128xf32, #tpu.memory_space<hbm>> -> memref<100000x128xf32, #tpu.memory_space<hbm>>
    tpu.wait_indirect_dma semaphore(%arg8 : memref<!tpu.dma_semaphore, #tpu.memory_space<semaphore_mem>>) src(%dma_wait3A_75 : memref<100000x128xf32, #tpu.memory_space<hbm>>) dst(%dma_wait3A_69 : memref<128x128xf32, #tpu.memory_space<vmem>>)
    %scan3A = arith.constant 0 : i32
    %scan3A_76 = arith.constant 128 : i32
    %scan3A_77 = arith.addi %scan3A, %scan3A_76 : i32
    %scan3A_78 = arith.constant 4 : i32
    %scan3A_79:8 = scf.for %scan3A_166 = %scan3A to %scan3A_77 step %scan3A_78 iter_args(%scan3A_167 = %broadcast_in_dim3A_50, %scan3A_168 = %broadcast_in_dim3A_52, %scan3A_169 = %broadcast_in_dim3A_54, %scan3A_170 = %broadcast_in_dim3A_56, %scan3A_171 = %broadcast_in_dim3A_58, %scan3A_172 = %broadcast_in_dim3A_60, %scan3A_173 = %broadcast_in_dim3A_62, %scan3A_174 = %broadcast_in_dim3A_64) -> (vector<16xf32>, vector<16xf32>, vector<16xf32>, vector<16xf32>, vector<16xf32>, vector<16xf32>, vector<16xf32>, vector<16xf32>)  : i32 {
      %get3A = arith.constant 0 : i32
      %get3A_175 = arith.index_cast %get3A : i32 to index
      %get3A_176 = arith.index_cast %scan3A_166 : i32 to index
      %get3A_177 = arith.constant 0 : index
      %get3A_178 = tpu.vector_load %arg6[%get3A_175, %get3A_176, %get3A_177] {strides = array<i32>} : memref<4x128x128xf32, #tpu.memory_space<vmem>>, vector<1x1x16xf32>,
      %get3A_179 = vector.shape_cast %get3A_178 : vector<1x1x16xf32> to vector<16xf32>
      %add3A_180 = arith.addf %scan3A_167, %get3A_179 : vector<16xf32>
      %get3A_181 = arith.constant 0 : i32
      %get3A_182 = arith.index_cast %get3A_181 : i32 to index
      %get3A_183 = arith.index_cast %scan3A_166 : i32 to index
      %get3A_184 = arith.constant 16 : index
      %get3A_185 = tpu.vector_load %arg6[%get3A_182, %get3A_183, %get3A_184] {strides = array<i32>} : memref<4x128x128xf32, #tpu.memory_space<vmem>>, vector<1x1x16xf32>,
      %get3A_186 = vector.shape_cast %get3A_185 : vector<1x1x16xf32> to vector<16xf32>
      %add3A_187 = arith.addf %scan3A_168, %get3A_186 : vector<16xf32>
      %get3A_188 = arith.constant 0 : i32
      %get3A_189 = arith.index_cast %get3A_188 : i32 to index
      %get3A_190 = arith.index_cast %scan3A_166 : i32 to index
      %get3A_191 = arith.constant 32 : index
      %get3A_192 = tpu.vector_load %arg6[%get3A_189, %get3A_190, %get3A_191] {strides = array<i32>} : memref<4x128x128xf32, #tpu.memory_space<vmem>>, vector<1x1x16xf32>,
      %get3A_193 = vector.shape_cast %get3A_192 : vector<1x1x16xf32> to vector<16xf32>
      %add3A_194 = arith.addf %scan3A_169, %get3A_193 : vector<16xf32>
      %get3A_195 = arith.constant 0 : i32
      %get3A_196 = arith.index_cast %get3A_195 : i32 to index
      %get3A_197 = arith.index_cast %scan3A_166 : i32 to index
      %get3A_198 = arith.constant 48 : index
      %get3A_199 = tpu.vector_load %arg6[%get3A_196, %get3A_197, %get3A_198] {strides = array<i32>} : memref<4x128x128xf32, #tpu.memory_space<vmem>>, vector<1x1x16xf32>,
      %get3A_200 = vector.shape_cast %get3A_199 : vector<1x1x16xf32> to vector<16xf32>
      %add3A_201 = arith.addf %scan3A_170, %get3A_200 : vector<16xf32>
      %get3A_202 = arith.constant 0 : i32
      %get3A_203 = arith.index_cast %get3A_202 : i32 to index
      %get3A_204 = arith.index_cast %scan3A_166 : i32 to index
      %get3A_205 = arith.constant 64 : index
      %get3A_206 = tpu.vector_load %arg6[%get3A_203, %get3A_204, %get3A_205] {strides = array<i32>} : memref<4x128x128xf32, #tpu.memory_space<vmem>>, vector<1x1x16xf32>,
      %get3A_207 = vector.shape_cast %get3A_206 : vector<1x1x16xf32> to vector<16xf32>
      %add3A_208 = arith.addf %scan3A_171, %get3A_207 : vector<16xf32>
      %get3A_209 = arith.constant 0 : i32
      %get3A_210 = arith.index_cast %get3A_209 : i32 to index
      %get3A_211 = arith.index_cast %scan3A_166 : i32 to index
      %get3A_212 = arith.constant 80 : index
      %get3A_213 = tpu.vector_load %arg6[%get3A_210, %get3A_211, %get3A_212] {strides = array<i32>} : memref<4x128x128xf32, #tpu.memory_space<vmem>>, vector<1x1x16xf32>,
      %get3A_214 = vector.shape_cast %get3A_213 : vector<1x1x16xf32> to vector<16xf32>
      %add3A_215 = arith.addf %scan3A_172, %get3A_214 : vector<16xf32>
      %get3A_216 = arith.constant 0 : i32
      %get3A_217 = arith.index_cast %get3A_216 : i32 to index
      %get3A_218 = arith.index_cast %scan3A_166 : i32 to index
      %get3A_219 = arith.constant 96 : index
      %get3A_220 = tpu.vector_load %arg6[%get3A_217, %get3A_218, %get3A_219] {strides = array<i32>} : memref<4x128x128xf32, #tpu.memory_space<vmem>>, vector<1x1x16xf32>,
      %get3A_221 = vector.shape_cast %get3A_220 : vector<1x1x16xf32> to vector<16xf32>
      %add3A_222 = arith.addf %scan3A_173, %get3A_221 : vector<16xf32>
      %get3A_223 = arith.constant 0 : i32
      %get3A_224 = arith.index_cast %get3A_223 : i32 to index
      %get3A_225 = arith.index_cast %scan3A_166 : i32 to index
      %get3A_226 = arith.constant 112 : index
      %get3A_227 = tpu.vector_load %arg6[%get3A_224, %get3A_225, %get3A_226] {strides = array<i32>} : memref<4x128x128xf32, #tpu.memory_space<vmem>>, vector<1x1x16xf32>,
      %get3A_228 = vector.shape_cast %get3A_227 : vector<1x1x16xf32> to vector<16xf32>
      %add3A_229 = arith.addf %scan3A_174, %get3A_228 : vector<16xf32>
      %scan3A_230 = arith.constant 1 : i32
      %scan3A_231 = arith.addi %scan3A_166, %scan3A_230 : i32
      %get3A_232 = arith.constant 0 : i32
      %get3A_233 = arith.index_cast %get3A_232 : i32 to index
      %get3A_234 = arith.index_cast %scan3A_231 : i32 to index
      %get3A_235 = arith.constant 0 : index
      %get3A_236 = tpu.vector_load %arg6[%get3A_233, %get3A_234, %get3A_235] {strides = array<i32>} : memref<4x128x128xf32, #tpu.memory_space<vmem>>, vector<1x1x16xf32>,
      %get3A_237 = vector.shape_cast %get3A_236 : vector<1x1x16xf32> to vector<16xf32>
      %add3A_238 = arith.addf %add3A_180, %get3A_237 : vector<16xf32>
      %get3A_239 = arith.constant 0 : i32
      %get3A_240 = arith.index_cast %get3A_239 : i32 to index
      %get3A_241 = arith.index_cast %scan3A_231 : i32 to index
      %get3A_242 = arith.constant 16 : index
      %get3A_243 = tpu.vector_load %arg6[%get3A_240, %get3A_241, %get3A_242] {strides = array<i32>} : memref<4x128x128xf32, #tpu.memory_space<vmem>>, vector<1x1x16xf32>,
      %get3A_244 = vector.shape_cast %get3A_243 : vector<1x1x16xf32> to vector<16xf32>
      %add3A_245 = arith.addf %add3A_187, %get3A_244 : vector<16xf32>
      %get3A_246 = arith.constant 0 : i32
      %get3A_247 = arith.index_cast %get3A_246 : i32 to index
      %get3A_248 = arith.index_cast %scan3A_231 : i32 to index
      %get3A_249 = arith.constant 32 : index
      %get3A_250 = tpu.vector_load %arg6[%get3A_247, %get3A_248, %get3A_249] {strides = array<i32>} : memref<4x128x128xf32, #tpu.memory_space<vmem>>, vector<1x1x16xf32>,
      %get3A_251 = vector.shape_cast %get3A_250 : vector<1x1x16xf32> to vector<16xf32>
      %add3A_252 = arith.addf %add3A_194, %get3A_251 : vector<16xf32>
      %get3A_253 = arith.constant 0 : i32
      %get3A_254 = arith.index_cast %get3A_253 : i32 to index
      %get3A_255 = arith.index_cast %scan3A_231 : i32 to index
      %get3A_256 = arith.constant 48 : index
      %get3A_257 = tpu.vector_load %arg6[%get3A_254, %get3A_255, %get3A_256] {strides = array<i32>} : memref<4x128x128xf32, #tpu.memory_space<vmem>>, vector<1x1x16xf32>,
      %get3A_258 = vector.shape_cast %get3A_257 : vector<1x1x16xf32> to vector<16xf32>
      %add3A_259 = arith.addf %add3A_201, %get3A_258 : vector<16xf32>
      %get3A_260 = arith.constant 0 : i32
      %get3A_261 = arith.index_cast %get3A_260 : i32 to index
      %get3A_262 = arith.index_cast %scan3A_231 : i32 to index
      %get3A_263 = arith.constant 64 : index
      %get3A_264 = tpu.vector_load %arg6[%get3A_261, %get3A_262, %get3A_263] {strides = array<i32>} : memref<4x128x128xf32, #tpu.memory_space<vmem>>, vector<1x1x16xf32>,
      %get3A_265 = vector.shape_cast %get3A_264 : vector<1x1x16xf32> to vector<16xf32>
      %add3A_266 = arith.addf %add3A_208, %get3A_265 : vector<16xf32>
      %get3A_267 = arith.constant 0 : i32
      %get3A_268 = arith.index_cast %get3A_267 : i32 to index
      %get3A_269 = arith.index_cast %scan3A_231 : i32 to index
      %get3A_270 = arith.constant 80 : index
      %get3A_271 = tpu.vector_load %arg6[%get3A_268, %get3A_269, %get3A_270] {strides = array<i32>} : memref<4x128x128xf32, #tpu.memory_space<vmem>>, vector<1x1x16xf32>,
      %get3A_272 = vector.shape_cast %get3A_271 : vector<1x1x16xf32> to vector<16xf32>
      %add3A_273 = arith.addf %add3A_215, %get3A_272 : vector<16xf32>
      %get3A_274 = arith.constant 0 : i32
      %get3A_275 = arith.index_cast %get3A_274 : i32 to index
      %get3A_276 = arith.index_cast %scan3A_231 : i32 to index
      %get3A_277 = arith.constant 96 : index
      %get3A_278 = tpu.vector_load %arg6[%get3A_275, %get3A_276, %get3A_277] {strides = array<i32>} : memref<4x128x128xf32, #tpu.memory_space<vmem>>, vector<1x1x16xf32>,
      %get3A_279 = vector.shape_cast %get3A_278 : vector<1x1x16xf32> to vector<16xf32>
      %add3A_280 = arith.addf %add3A_222, %get3A_279 : vector<16xf32>
      %get3A_281 = arith.constant 0 : i32
      %get3A_282 = arith.index_cast %get3A_281 : i32 to index
      %get3A_283 = arith.index_cast %scan3A_231 : i32 to index
      %get3A_284 = arith.constant 112 : index
      %get3A_285 = tpu.vector_load %arg6[%get3A_282, %get3A_283, %get3A_284] {strides = array<i32>} : memref<4x128x128xf32, #tpu.memory_space<vmem>>, vector<1x1x16xf32>,
      %get3A_286 = vector.shape_cast %get3A_285 : vector<1x1x16xf32> to vector<16xf32>
      %add3A_287 = arith.addf %add3A_229, %get3A_286 : vector<16xf32>
      %scan3A_288 = arith.constant 2 : i32
      %scan3A_289 = arith.addi %scan3A_166, %scan3A_288 : i32
      %get3A_290 = arith.constant 0 : i32
      %get3A_291 = arith.index_cast %get3A_290 : i32 to index
      %get3A_292 = arith.index_cast %scan3A_289 : i32 to index
      %get3A_293 = arith.constant 0 : index
      %get3A_294 = tpu.vector_load %arg6[%get3A_291, %get3A_292, %get3A_293] {strides = array<i32>} : memref<4x128x128xf32, #tpu.memory_space<vmem>>, vector<1x1x16xf32>,
      %get3A_295 = vector.shape_cast %get3A_294 : vector<1x1x16xf32> to vector<16xf32>
      %add3A_296 = arith.addf %add3A_238, %get3A_295 : vector<16xf32>
      %get3A_297 = arith.constant 0 : i32
      %get3A_298 = arith.index_cast %get3A_297 : i32 to index
      %get3A_299 = arith.index_cast %scan3A_289 : i32 to index
      %get3A_300 = arith.constant 16 : index
      %get3A_301 = tpu.vector_load %arg6[%get3A_298, %get3A_299, %get3A_300] {strides = array<i32>} : memref<4x128x128xf32, #tpu.memory_space<vmem>>, vector<1x1x16xf32>,
      %get3A_302 = vector.shape_cast %get3A_301 : vector<1x1x16xf32> to vector<16xf32>
      %add3A_303 = arith.addf %add3A_245, %get3A_302 : vector<16xf32>
      %get3A_304 = arith.constant 0 : i32
      %get3A_305 = arith.index_cast %get3A_304 : i32 to index
      %get3A_306 = arith.index_cast %scan3A_289 : i32 to index
      %get3A_307 = arith.constant 32 : index
      %get3A_308 = tpu.vector_load %arg6[%get3A_305, %get3A_306, %get3A_307] {strides = array<i32>} : memref<4x128x128xf32, #tpu.memory_space<vmem>>, vector<1x1x16xf32>,
      %get3A_309 = vector.shape_cast %get3A_308 : vector<1x1x16xf32> to vector<16xf32>
      %add3A_310 = arith.addf %add3A_252, %get3A_309 : vector<16xf32>
      %get3A_311 = arith.constant 0 : i32
      %get3A_312 = arith.index_cast %get3A_311 : i32 to index
      %get3A_313 = arith.index_cast %scan3A_289 : i32 to index
      %get3A_314 = arith.constant 48 : index
      %get3A_315 = tpu.vector_load %arg6[%get3A_312, %get3A_313, %get3A_314] {strides = array<i32>} : memref<4x128x128xf32, #tpu.memory_space<vmem>>, vector<1x1x16xf32>,
      %get3A_316 = vector.shape_cast %get3A_315 : vector<1x1x16xf32> to vector<16xf32>
      %add3A_317 = arith.addf %add3A_259, %get3A_316 : vector<16xf32>
      %get3A_318 = arith.constant 0 : i32
      %get3A_319 = arith.index_cast %get3A_318 : i32 to index
      %get3A_320 = arith.index_cast %scan3A_289 : i32 to index
      %get3A_321 = arith.constant 64 : index
      %get3A_322 = tpu.vector_load %arg6[%get3A_319, %get3A_320, %get3A_321] {strides = array<i32>} : memref<4x128x128xf32, #tpu.memory_space<vmem>>, vector<1x1x16xf32>,
      %get3A_323 = vector.shape_cast %get3A_322 : vector<1x1x16xf32> to vector<16xf32>
      %add3A_324 = arith.addf %add3A_266, %get3A_323 : vector<16xf32>
      %get3A_325 = arith.constant 0 : i32
      %get3A_326 = arith.index_cast %get3A_325 : i32 to index
      %get3A_327 = arith.index_cast %scan3A_289 : i32 to index
      %get3A_328 = arith.constant 80 : index
      %get3A_329 = tpu.vector_load %arg6[%get3A_326, %get3A_327, %get3A_328] {strides = array<i32>} : memref<4x128x128xf32, #tpu.memory_space<vmem>>, vector<1x1x16xf32>,
      %get3A_330 = vector.shape_cast %get3A_329 : vector<1x1x16xf32> to vector<16xf32>
      %add3A_331 = arith.addf %add3A_273, %get3A_330 : vector<16xf32>
      %get3A_332 = arith.constant 0 : i32
      %get3A_333 = arith.index_cast %get3A_332 : i32 to index
      %get3A_334 = arith.index_cast %scan3A_289 : i32 to index
      %get3A_335 = arith.constant 96 : index
      %get3A_336 = tpu.vector_load %arg6[%get3A_333, %get3A_334, %get3A_335] {strides = array<i32>} : memref<4x128x128xf32, #tpu.memory_space<vmem>>, vector<1x1x16xf32>,
      %get3A_337 = vector.shape_cast %get3A_336 : vector<1x1x16xf32> to vector<16xf32>
      %add3A_338 = arith.addf %add3A_280, %get3A_337 : vector<16xf32>
      %get3A_339 = arith.constant 0 : i32
      %get3A_340 = arith.index_cast %get3A_339 : i32 to index
      %get3A_341 = arith.index_cast %scan3A_289 : i32 to index
      %get3A_342 = arith.constant 112 : index
      %get3A_343 = tpu.vector_load %arg6[%get3A_340, %get3A_341, %get3A_342] {strides = array<i32>} : memref<4x128x128xf32, #tpu.memory_space<vmem>>, vector<1x1x16xf32>,
      %get3A_344 = vector.shape_cast %get3A_343 : vector<1x1x16xf32> to vector<16xf32>
      %add3A_345 = arith.addf %add3A_287, %get3A_344 : vector<16xf32>
      %scan3A_346 = arith.constant 3 : i32
      %scan3A_347 = arith.addi %scan3A_166, %scan3A_346 : i32
      %get3A_348 = arith.constant 0 : i32
      %get3A_349 = arith.index_cast %get3A_348 : i32 to index
      %get3A_350 = arith.index_cast %scan3A_347 : i32 to index
      %get3A_351 = arith.constant 0 : index
      %get3A_352 = tpu.vector_load %arg6[%get3A_349, %get3A_350, %get3A_351] {strides = array<i32>} : memref<4x128x128xf32, #tpu.memory_space<vmem>>, vector<1x1x16xf32>,
      %get3A_353 = vector.shape_cast %get3A_352 : vector<1x1x16xf32> to vector<16xf32>
      %add3A_354 = arith.addf %add3A_296, %get3A_353 : vector<16xf32>
      %get3A_355 = arith.constant 0 : i32
      %get3A_356 = arith.index_cast %get3A_355 : i32 to index
      %get3A_357 = arith.index_cast %scan3A_347 : i32 to index
      %get3A_358 = arith.constant 16 : index
      %get3A_359 = tpu.vector_load %arg6[%get3A_356, %get3A_357, %get3A_358] {strides = array<i32>} : memref<4x128x128xf32, #tpu.memory_space<vmem>>, vector<1x1x16xf32>,
      %get3A_360 = vector.shape_cast %get3A_359 : vector<1x1x16xf32> to vector<16xf32>
      %add3A_361 = arith.addf %add3A_303, %get3A_360 : vector<16xf32>
      %get3A_362 = arith.constant 0 : i32
      %get3A_363 = arith.index_cast %get3A_362 : i32 to index
      %get3A_364 = arith.index_cast %scan3A_347 : i32 to index
      %get3A_365 = arith.constant 32 : index
      %get3A_366 = tpu.vector_load %arg6[%get3A_363, %get3A_364, %get3A_365] {strides = array<i32>} : memref<4x128x128xf32, #tpu.memory_space<vmem>>, vector<1x1x16xf32>,
      %get3A_367 = vector.shape_cast %get3A_366 : vector<1x1x16xf32> to vector<16xf32>
      %add3A_368 = arith.addf %add3A_310, %get3A_367 : vector<16xf32>
      %get3A_369 = arith.constant 0 : i32
      %get3A_370 = arith.index_cast %get3A_369 : i32 to index
      %get3A_371 = arith.index_cast %scan3A_347 : i32 to index
      %get3A_372 = arith.constant 48 : index
      %get3A_373 = tpu.vector_load %arg6[%get3A_370, %get3A_371, %get3A_372] {strides = array<i32>} : memref<4x128x128xf32, #tpu.memory_space<vmem>>, vector<1x1x16xf32>,
      %get3A_374 = vector.shape_cast %get3A_373 : vector<1x1x16xf32> to vector<16xf32>
      %add3A_375 = arith.addf %add3A_317, %get3A_374 : vector<16xf32>
      %get3A_376 = arith.constant 0 : i32
      %get3A_377 = arith.index_cast %get3A_376 : i32 to index
      %get3A_378 = arith.index_cast %scan3A_347 : i32 to index
      %get3A_379 = arith.constant 64 : index
      %get3A_380 = tpu.vector_load %arg6[%get3A_377, %get3A_378, %get3A_379] {strides = array<i32>} : memref<4x128x128xf32, #tpu.memory_space<vmem>>, vector<1x1x16xf32>,
      %get3A_381 = vector.shape_cast %get3A_380 : vector<1x1x16xf32> to vector<16xf32>
      %add3A_382 = arith.addf %add3A_324, %get3A_381 : vector<16xf32>
      %get3A_383 = arith.constant 0 : i32
      %get3A_384 = arith.index_cast %get3A_383 : i32 to index
      %get3A_385 = arith.index_cast %scan3A_347 : i32 to index
      %get3A_386 = arith.constant 80 : index
      %get3A_387 = tpu.vector_load %arg6[%get3A_384, %get3A_385, %get3A_386] {strides = array<i32>} : memref<4x128x128xf32, #tpu.memory_space<vmem>>, vector<1x1x16xf32>,
      %get3A_388 = vector.shape_cast %get3A_387 : vector<1x1x16xf32> to vector<16xf32>
      %add3A_389 = arith.addf %add3A_331, %get3A_388 : vector<16xf32>
      %get3A_390 = arith.constant 0 : i32
      %get3A_391 = arith.index_cast %get3A_390 : i32 to index
      %get3A_392 = arith.index_cast %scan3A_347 : i32 to index
      %get3A_393 = arith.constant 96 : index
      %get3A_394 = tpu.vector_load %arg6[%get3A_391, %get3A_392, %get3A_393] {strides = array<i32>} : memref<4x128x128xf32, #tpu.memory_space<vmem>>, vector<1x1x16xf32>,
      %get3A_395 = vector.shape_cast %get3A_394 : vector<1x1x16xf32> to vector<16xf32>
      %add3A_396 = arith.addf %add3A_338, %get3A_395 : vector<16xf32>
      %get3A_397 = arith.constant 0 : i32
      %get3A_398 = arith.index_cast %get3A_397 : i32 to index
      %get3A_399 = arith.index_cast %scan3A_347 : i32 to index
      %get3A_400 = arith.constant 112 : index
      %get3A_401 = tpu.vector_load %arg6[%get3A_398, %get3A_399, %get3A_400] {strides = array<i32>} : memref<4x128x128xf32, #tpu.memory_space<vmem>>, vector<1x1x16xf32>,
      %get3A_402 = vector.shape_cast %get3A_401 : vector<1x1x16xf32> to vector<16xf32>
      %add3A_403 = arith.addf %add3A_345, %get3A_402 : vector<16xf32>
      scf.yield %add3A_354, %add3A_361, %add3A_368, %add3A_375, %add3A_382, %add3A_389, %add3A_396, %add3A_403 : vector<16xf32>, vector<16xf32>, vector<16xf32>, vector<16xf32>, vector<16xf32>, vector<16xf32>, vector<16xf32>, vector<16xf32>
    }
    %scan3A_80 = arith.constant 128 : i32
    %dma_wait3A_81 = arith.constant 1 : i32
    %dma_wait3A_82 = arith.constant 1 : i32
    %dma_wait3A_83 = arith.constant 0 : i32
    %dma_wait3A_84 = arith.constant 0 : i32
    %dma_wait3A_85 = tpu.memref_slice %arg6[%dma_wait3A_82, %dma_wait3A_83, %dma_wait3A_84] : memref<4x128x128xf32, #tpu.memory_space<vmem>> -> memref<1x128x128xf32, #tpu.memory_space<vmem>>
    %dma_wait3A_86 = tpu.memref_squeeze %dma_wait3A_85 : memref<1x128x128xf32, #tpu.memory_space<vmem>> -> memref<128x128xf32, #tpu.memory_space<vmem>>
    %dma_wait3A_87 = arith.constant 0 : i32
    %dma_wait3A_88 = tpu.memref_slice %arg5[%dma_wait3A_81, %dma_wait3A_87] : memref<4x128xi32, #tpu.memory_space<vmem>> -> memref<1x128xi32, #tpu.memory_space<vmem>>
    %dma_wait3A_89 = tpu.memref_squeeze %dma_wait3A_88 : memref<1x128xi32, #tpu.memory_space<vmem>> -> memref<128xi32, #tpu.memory_space<vmem>>
    %dma_wait3A_90 = arith.constant 0 : i32
    %dma_wait3A_91 = arith.constant 0 : i32
    %dma_wait3A_92 = tpu.memref_slice %arg3[%dma_wait3A_90, %dma_wait3A_91] : memref<100000x128xf32, #tpu.memory_space<hbm>> -> memref<100000x128xf32, #tpu.memory_space<hbm>>
    tpu.wait_indirect_dma semaphore(%arg8 : memref<!tpu.dma_semaphore, #tpu.memory_space<semaphore_mem>>) src(%dma_wait3A_92 : memref<100000x128xf32, #tpu.memory_space<hbm>>) dst(%dma_wait3A_86 : memref<128x128xf32, #tpu.memory_space<vmem>>)
    %scan3A_93 = arith.constant 0 : i32
    %scan3A_94 = arith.constant 128 : i32
    %scan3A_95 = arith.addi %scan3A_93, %scan3A_94 : i32
    %scan3A_96 = arith.constant 4 : i32
    %scan3A_97:8 = scf.for %scan3A_166 = %scan3A_93 to %scan3A_95 step %scan3A_96 iter_args(%scan3A_167 = %scan3A_79#0, %scan3A_168 = %scan3A_79#1, %scan3A_169 = %scan3A_79#2, %scan3A_170 = %scan3A_79#3, %scan3A_171 = %scan3A_79#4, %scan3A_172 = %scan3A_79#5, %scan3A_173 = %scan3A_79#6, %scan3A_174 = %scan3A_79#7) -> (vector<16xf32>, vector<16xf32>, vector<16xf32>, vector<16xf32>, vector<16xf32>, vector<16xf32>, vector<16xf32>, vector<16xf32>)  : i32 {
      %get3A = arith.constant 1 : i32
      %get3A_175 = arith.index_cast %get3A : i32 to index
      %get3A_176 = arith.index_cast %scan3A_166 : i32 to index
      %get3A_177 = arith.constant 0 : index
      %get3A_178 = tpu.vector_load %arg6[%get3A_175, %get3A_176, %get3A_177] {strides = array<i32>} : memref<4x128x128xf32, #tpu.memory_space<vmem>>, vector<1x1x16xf32>,
      %get3A_179 = vector.shape_cast %get3A_178 : vector<1x1x16xf32> to vector<16xf32>
      %add3A_180 = arith.addf %scan3A_167, %get3A_179 : vector<16xf32>
      %get3A_181 = arith.constant 1 : i32
      %get3A_182 = arith.index_cast %get3A_181 : i32 to index
      %get3A_183 = arith.index_cast %scan3A_166 : i32 to index
      %get3A_184 = arith.constant 16 : index
      %get3A_185 = tpu.vector_load %arg6[%get3A_182, %get3A_183, %get3A_184] {strides = array<i32>} : memref<4x128x128xf32, #tpu.memory_space<vmem>>, vector<1x1x16xf32>,
      %get3A_186 = vector.shape_cast %get3A_185 : vector<1x1x16xf32> to vector<16xf32>
      %add3A_187 = arith.addf %scan3A_168, %get3A_186 : vector<16xf32>
      %get3A_188 = arith.constant 1 : i32
      %get3A_189 = arith.index_cast %get3A_188 : i32 to index
      %get3A_190 = arith.index_cast %scan3A_166 : i32 to index
      %get3A_191 = arith.constant 32 : index
      %get3A_192 = tpu.vector_load %arg6[%get3A_189, %get3A_190, %get3A_191] {strides = array<i32>} : memref<4x128x128xf32, #tpu.memory_space<vmem>>, vector<1x1x16xf32>,
      %get3A_193 = vector.shape_cast %get3A_192 : vector<1x1x16xf32> to vector<16xf32>
      %add3A_194 = arith.addf %scan3A_169, %get3A_193 : vector<16xf32>
      %get3A_195 = arith.constant 1 : i32
      %get3A_196 = arith.index_cast %get3A_195 : i32 to index
      %get3A_197 = arith.index_cast %scan3A_166 : i32 to index
      %get3A_198 = arith.constant 48 : index
      %get3A_199 = tpu.vector_load %arg6[%get3A_196, %get3A_197, %get3A_198] {strides = array<i32>} : memref<4x128x128xf32, #tpu.memory_space<vmem>>, vector<1x1x16xf32>,
      %get3A_200 = vector.shape_cast %get3A_199 : vector<1x1x16xf32> to vector<16xf32>
      %add3A_201 = arith.addf %scan3A_170, %get3A_200 : vector<16xf32>
      %get3A_202 = arith.constant 1 : i32
      %get3A_203 = arith.index_cast %get3A_202 : i32 to index
      %get3A_204 = arith.index_cast %scan3A_166 : i32 to index
      %get3A_205 = arith.constant 64 : index
      %get3A_206 = tpu.vector_load %arg6[%get3A_203, %get3A_204, %get3A_205] {strides = array<i32>} : memref<4x128x128xf32, #tpu.memory_space<vmem>>, vector<1x1x16xf32>,
      %get3A_207 = vector.shape_cast %get3A_206 : vector<1x1x16xf32> to vector<16xf32>
      %add3A_208 = arith.addf %scan3A_171, %get3A_207 : vector<16xf32>
      %get3A_209 = arith.constant 1 : i32
      %get3A_210 = arith.index_cast %get3A_209 : i32 to index
      %get3A_211 = arith.index_cast %scan3A_166 : i32 to index
      %get3A_212 = arith.constant 80 : index
      %get3A_213 = tpu.vector_load %arg6[%get3A_210, %get3A_211, %get3A_212] {strides = array<i32>} : memref<4x128x128xf32, #tpu.memory_space<vmem>>, vector<1x1x16xf32>,
      %get3A_214 = vector.shape_cast %get3A_213 : vector<1x1x16xf32> to vector<16xf32>
      %add3A_215 = arith.addf %scan3A_172, %get3A_214 : vector<16xf32>
      %get3A_216 = arith.constant 1 : i32
      %get3A_217 = arith.index_cast %get3A_216 : i32 to index
      %get3A_218 = arith.index_cast %scan3A_166 : i32 to index
      %get3A_219 = arith.constant 96 : index
      %get3A_220 = tpu.vector_load %arg6[%get3A_217, %get3A_218, %get3A_219] {strides = array<i32>} : memref<4x128x128xf32, #tpu.memory_space<vmem>>, vector<1x1x16xf32>,
      %get3A_221 = vector.shape_cast %get3A_220 : vector<1x1x16xf32> to vector<16xf32>
      %add3A_222 = arith.addf %scan3A_173, %get3A_221 : vector<16xf32>
      %get3A_223 = arith.constant 1 : i32
      %get3A_224 = arith.index_cast %get3A_223 : i32 to index
      %get3A_225 = arith.index_cast %scan3A_166 : i32 to index
      %get3A_226 = arith.constant 112 : index
      %get3A_227 = tpu.vector_load %arg6[%get3A_224, %get3A_225, %get3A_226] {strides = array<i32>} : memref<4x128x128xf32, #tpu.memory_space<vmem>>, vector<1x1x16xf32>,
      %get3A_228 = vector.shape_cast %get3A_227 : vector<1x1x16xf32> to vector<16xf32>
      %add3A_229 = arith.addf %scan3A_174, %get3A_228 : vector<16xf32>
      %scan3A_230 = arith.constant 1 : i32
      %scan3A_231 = arith.addi %scan3A_166, %scan3A_230 : i32
      %get3A_232 = arith.constant 1 : i32
      %get3A_233 = arith.index_cast %get3A_232 : i32 to index
      %get3A_234 = arith.index_cast %scan3A_231 : i32 to index
      %get3A_235 = arith.constant 0 : index
      %get3A_236 = tpu.vector_load %arg6[%get3A_233, %get3A_234, %get3A_235] {strides = array<i32>} : memref<4x128x128xf32, #tpu.memory_space<vmem>>, vector<1x1x16xf32>,
      %get3A_237 = vector.shape_cast %get3A_236 : vector<1x1x16xf32> to vector<16xf32>
      %add3A_238 = arith.addf %add3A_180, %get3A_237 : vector<16xf32>
      %get3A_239 = arith.constant 1 : i32
      %get3A_240 = arith.index_cast %get3A_239 : i32 to index
      %get3A_241 = arith.index_cast %scan3A_231 : i32 to index
      %get3A_242 = arith.constant 16 : index
      %get3A_243 = tpu.vector_load %arg6[%get3A_240, %get3A_241, %get3A_242] {strides = array<i32>} : memref<4x128x128xf32, #tpu.memory_space<vmem>>, vector<1x1x16xf32>,
      %get3A_244 = vector.shape_cast %get3A_243 : vector<1x1x16xf32> to vector<16xf32>
      %add3A_245 = arith.addf %add3A_187, %get3A_244 : vector<16xf32>
      %get3A_246 = arith.constant 1 : i32
      %get3A_247 = arith.index_cast %get3A_246 : i32 to index
      %get3A_248 = arith.index_cast %scan3A_231 : i32 to index
      %get3A_249 = arith.constant 32 : index
      %get3A_250 = tpu.vector_load %arg6[%get3A_247, %get3A_248, %get3A_249] {strides = array<i32>} : memref<4x128x128xf32, #tpu.memory_space<vmem>>, vector<1x1x16xf32>,
      %get3A_251 = vector.shape_cast %get3A_250 : vector<1x1x16xf32> to vector<16xf32>
      %add3A_252 = arith.addf %add3A_194, %get3A_251 : vector<16xf32>
      %get3A_253 = arith.constant 1 : i32
      %get3A_254 = arith.index_cast %get3A_253 : i32 to index
      %get3A_255 = arith.index_cast %scan3A_231 : i32 to index
      %get3A_256 = arith.constant 48 : index
      %get3A_257 = tpu.vector_load %arg6[%get3A_254, %get3A_255, %get3A_256] {strides = array<i32>} : memref<4x128x128xf32, #tpu.memory_space<vmem>>, vector<1x1x16xf32>,
      %get3A_258 = vector.shape_cast %get3A_257 : vector<1x1x16xf32> to vector<16xf32>
      %add3A_259 = arith.addf %add3A_201, %get3A_258 : vector<16xf32>
      %get3A_260 = arith.constant 1 : i32
      %get3A_261 = arith.index_cast %get3A_260 : i32 to index
      %get3A_262 = arith.index_cast %scan3A_231 : i32 to index
      %get3A_263 = arith.constant 64 : index
      %get3A_264 = tpu.vector_load %arg6[%get3A_261, %get3A_262, %get3A_263] {strides = array<i32>} : memref<4x128x128xf32, #tpu.memory_space<vmem>>, vector<1x1x16xf32>,
      %get3A_265 = vector.shape_cast %get3A_264 : vector<1x1x16xf32> to vector<16xf32>
      %add3A_266 = arith.addf %add3A_208, %get3A_265 : vector<16xf32>
      %get3A_267 = arith.constant 1 : i32
      %get3A_268 = arith.index_cast %get3A_267 : i32 to index
      %get3A_269 = arith.index_cast %scan3A_231 : i32 to index
      %get3A_270 = arith.constant 80 : index
      %get3A_271 = tpu.vector_load %arg6[%get3A_268, %get3A_269, %get3A_270] {strides = array<i32>} : memref<4x128x128xf32, #tpu.memory_space<vmem>>, vector<1x1x16xf32>,
      %get3A_272 = vector.shape_cast %get3A_271 : vector<1x1x16xf32> to vector<16xf32>
      %add3A_273 = arith.addf %add3A_215, %get3A_272 : vector<16xf32>
      %get3A_274 = arith.constant 1 : i32
      %get3A_275 = arith.index_cast %get3A_274 : i32 to index
      %get3A_276 = arith.index_cast %scan3A_231 : i32 to index
      %get3A_277 = arith.constant 96 : index
      %get3A_278 = tpu.vector_load %arg6[%get3A_275, %get3A_276, %get3A_277] {strides = array<i32>} : memref<4x128x128xf32, #tpu.memory_space<vmem>>, vector<1x1x16xf32>,
      %get3A_279 = vector.shape_cast %get3A_278 : vector<1x1x16xf32> to vector<16xf32>
      %add3A_280 = arith.addf %add3A_222, %get3A_279 : vector<16xf32>
      %get3A_281 = arith.constant 1 : i32
      %get3A_282 = arith.index_cast %get3A_281 : i32 to index
      %get3A_283 = arith.index_cast %scan3A_231 : i32 to index
      %get3A_284 = arith.constant 112 : index
      %get3A_285 = tpu.vector_load %arg6[%get3A_282, %get3A_283, %get3A_284] {strides = array<i32>} : memref<4x128x128xf32, #tpu.memory_space<vmem>>, vector<1x1x16xf32>,
      %get3A_286 = vector.shape_cast %get3A_285 : vector<1x1x16xf32> to vector<16xf32>
      %add3A_287 = arith.addf %add3A_229, %get3A_286 : vector<16xf32>
      %scan3A_288 = arith.constant 2 : i32
      %scan3A_289 = arith.addi %scan3A_166, %scan3A_288 : i32
      %get3A_290 = arith.constant 1 : i32
      %get3A_291 = arith.index_cast %get3A_290 : i32 to index
      %get3A_292 = arith.index_cast %scan3A_289 : i32 to index
      %get3A_293 = arith.constant 0 : index
      %get3A_294 = tpu.vector_load %arg6[%get3A_291, %get3A_292, %get3A_293] {strides = array<i32>} : memref<4x128x128xf32, #tpu.memory_space<vmem>>, vector<1x1x16xf32>,
      %get3A_295 = vector.shape_cast %get3A_294 : vector<1x1x16xf32> to vector<16xf32>
      %add3A_296 = arith.addf %add3A_238, %get3A_295 : vector<16xf32>
      %get3A_297 = arith.constant 1 : i32
      %get3A_298 = arith.index_cast %get3A_297 : i32 to index
      %get3A_299 = arith.index_cast %scan3A_289 : i32 to index
      %get3A_300 = arith.constant 16 : index
      %get3A_301 = tpu.vector_load %arg6[%get3A_298, %get3A_299, %get3A_300] {strides = array<i32>} : memref<4x128x128xf32, #tpu.memory_space<vmem>>, vector<1x1x16xf32>,
      %get3A_302 = vector.shape_cast %get3A_301 : vector<1x1x16xf32> to vector<16xf32>
      %add3A_303 = arith.addf %add3A_245, %get3A_302 : vector<16xf32>
      %get3A_304 = arith.constant 1 : i32
      %get3A_305 = arith.index_cast %get3A_304 : i32 to index
      %get3A_306 = arith.index_cast %scan3A_289 : i32 to index
      %get3A_307 = arith.constant 32 : index
      %get3A_308 = tpu.vector_load %arg6[%get3A_305, %get3A_306, %get3A_307] {strides = array<i32>} : memref<4x128x128xf32, #tpu.memory_space<vmem>>, vector<1x1x16xf32>,
      %get3A_309 = vector.shape_cast %get3A_308 : vector<1x1x16xf32> to vector<16xf32>
      %add3A_310 = arith.addf %add3A_252, %get3A_309 : vector<16xf32>
      %get3A_311 = arith.constant 1 : i32
      %get3A_312 = arith.index_cast %get3A_311 : i32 to index
      %get3A_313 = arith.index_cast %scan3A_289 : i32 to index
      %get3A_314 = arith.constant 48 : index
      %get3A_315 = tpu.vector_load %arg6[%get3A_312, %get3A_313, %get3A_314] {strides = array<i32>} : memref<4x128x128xf32, #tpu.memory_space<vmem>>, vector<1x1x16xf32>,
      %get3A_316 = vector.shape_cast %get3A_315 : vector<1x1x16xf32> to vector<16xf32>
      %add3A_317 = arith.addf %add3A_259, %get3A_316 : vector<16xf32>
      %get3A_318 = arith.constant 1 : i32
      %get3A_319 = arith.index_cast %get3A_318 : i32 to index
      %get3A_320 = arith.index_cast %scan3A_289 : i32 to index
      %get3A_321 = arith.constant 64 : index
      %get3A_322 = tpu.vector_load %arg6[%get3A_319, %get3A_320, %get3A_321] {strides = array<i32>} : memref<4x128x128xf32, #tpu.memory_space<vmem>>, vector<1x1x16xf32>,
      %get3A_323 = vector.shape_cast %get3A_322 : vector<1x1x16xf32> to vector<16xf32>
      %add3A_324 = arith.addf %add3A_266, %get3A_323 : vector<16xf32>
      %get3A_325 = arith.constant 1 : i32
      %get3A_326 = arith.index_cast %get3A_325 : i32 to index
      %get3A_327 = arith.index_cast %scan3A_289 : i32 to index
      %get3A_328 = arith.constant 80 : index
      %get3A_329 = tpu.vector_load %arg6[%get3A_326, %get3A_327, %get3A_328] {strides = array<i32>} : memref<4x128x128xf32, #tpu.memory_space<vmem>>, vector<1x1x16xf32>,
      %get3A_330 = vector.shape_cast %get3A_329 : vector<1x1x16xf32> to vector<16xf32>
      %add3A_331 = arith.addf %add3A_273, %get3A_330 : vector<16xf32>
      %get3A_332 = arith.constant 1 : i32
      %get3A_333 = arith.index_cast %get3A_332 : i32 to index
      %get3A_334 = arith.index_cast %scan3A_289 : i32 to index
      %get3A_335 = arith.constant 96 : index
      %get3A_336 = tpu.vector_load %arg6[%get3A_333, %get3A_334, %get3A_335] {strides = array<i32>} : memref<4x128x128xf32, #tpu.memory_space<vmem>>, vector<1x1x16xf32>,
      %get3A_337 = vector.shape_cast %get3A_336 : vector<1x1x16xf32> to vector<16xf32>
      %add3A_338 = arith.addf %add3A_280, %get3A_337 : vector<16xf32>
      %get3A_339 = arith.constant 1 : i32
      %get3A_340 = arith.index_cast %get3A_339 : i32 to index
      %get3A_341 = arith.index_cast %scan3A_289 : i32 to index
      %get3A_342 = arith.constant 112 : index
      %get3A_343 = tpu.vector_load %arg6[%get3A_340, %get3A_341, %get3A_342] {strides = array<i32>} : memref<4x128x128xf32, #tpu.memory_space<vmem>>, vector<1x1x16xf32>,
      %get3A_344 = vector.shape_cast %get3A_343 : vector<1x1x16xf32> to vector<16xf32>
      %add3A_345 = arith.addf %add3A_287, %get3A_344 : vector<16xf32>
      %scan3A_346 = arith.constant 3 : i32
      %scan3A_347 = arith.addi %scan3A_166, %scan3A_346 : i32
      %get3A_348 = arith.constant 1 : i32
      %get3A_349 = arith.index_cast %get3A_348 : i32 to index
      %get3A_350 = arith.index_cast %scan3A_347 : i32 to index
      %get3A_351 = arith.constant 0 : index
      %get3A_352 = tpu.vector_load %arg6[%get3A_349, %get3A_350, %get3A_351] {strides = array<i32>} : memref<4x128x128xf32, #tpu.memory_space<vmem>>, vector<1x1x16xf32>,
      %get3A_353 = vector.shape_cast %get3A_352 : vector<1x1x16xf32> to vector<16xf32>
      %add3A_354 = arith.addf %add3A_296, %get3A_353 : vector<16xf32>
      %get3A_355 = arith.constant 1 : i32
      %get3A_356 = arith.index_cast %get3A_355 : i32 to index
      %get3A_357 = arith.index_cast %scan3A_347 : i32 to index
      %get3A_358 = arith.constant 16 : index
      %get3A_359 = tpu.vector_load %arg6[%get3A_356, %get3A_357, %get3A_358] {strides = array<i32>} : memref<4x128x128xf32, #tpu.memory_space<vmem>>, vector<1x1x16xf32>,
      %get3A_360 = vector.shape_cast %get3A_359 : vector<1x1x16xf32> to vector<16xf32>
      %add3A_361 = arith.addf %add3A_303, %get3A_360 : vector<16xf32>
      %get3A_362 = arith.constant 1 : i32
      %get3A_363 = arith.index_cast %get3A_362 : i32 to index
      %get3A_364 = arith.index_cast %scan3A_347 : i32 to index
      %get3A_365 = arith.constant 32 : index
      %get3A_366 = tpu.vector_load %arg6[%get3A_363, %get3A_364, %get3A_365] {strides = array<i32>} : memref<4x128x128xf32, #tpu.memory_space<vmem>>, vector<1x1x16xf32>,
      %get3A_367 = vector.shape_cast %get3A_366 : vector<1x1x16xf32> to vector<16xf32>
      %add3A_368 = arith.addf %add3A_310, %get3A_367 : vector<16xf32>
      %get3A_369 = arith.constant 1 : i32
      %get3A_370 = arith.index_cast %get3A_369 : i32 to index
      %get3A_371 = arith.index_cast %scan3A_347 : i32 to index
      %get3A_372 = arith.constant 48 : index
      %get3A_373 = tpu.vector_load %arg6[%get3A_370, %get3A_371, %get3A_372] {strides = array<i32>} : memref<4x128x128xf32, #tpu.memory_space<vmem>>, vector<1x1x16xf32>,
      %get3A_374 = vector.shape_cast %get3A_373 : vector<1x1x16xf32> to vector<16xf32>
      %add3A_375 = arith.addf %add3A_317, %get3A_374 : vector<16xf32>
      %get3A_376 = arith.constant 1 : i32
      %get3A_377 = arith.index_cast %get3A_376 : i32 to index
      %get3A_378 = arith.index_cast %scan3A_347 : i32 to index
      %get3A_379 = arith.constant 64 : index
      %get3A_380 = tpu.vector_load %arg6[%get3A_377, %get3A_378, %get3A_379] {strides = array<i32>} : memref<4x128x128xf32, #tpu.memory_space<vmem>>, vector<1x1x16xf32>,
      %get3A_381 = vector.shape_cast %get3A_380 : vector<1x1x16xf32> to vector<16xf32>
      %add3A_382 = arith.addf %add3A_324, %get3A_381 : vector<16xf32>
      %get3A_383 = arith.constant 1 : i32
      %get3A_384 = arith.index_cast %get3A_383 : i32 to index
      %get3A_385 = arith.index_cast %scan3A_347 : i32 to index
      %get3A_386 = arith.constant 80 : index
      %get3A_387 = tpu.vector_load %arg6[%get3A_384, %get3A_385, %get3A_386] {strides = array<i32>} : memref<4x128x128xf32, #tpu.memory_space<vmem>>, vector<1x1x16xf32>,
      %get3A_388 = vector.shape_cast %get3A_387 : vector<1x1x16xf32> to vector<16xf32>
      %add3A_389 = arith.addf %add3A_331, %get3A_388 : vector<16xf32>
      %get3A_390 = arith.constant 1 : i32
      %get3A_391 = arith.index_cast %get3A_390 : i32 to index
      %get3A_392 = arith.index_cast %scan3A_347 : i32 to index
      %get3A_393 = arith.constant 96 : index
      %get3A_394 = tpu.vector_load %arg6[%get3A_391, %get3A_392, %get3A_393] {strides = array<i32>} : memref<4x128x128xf32, #tpu.memory_space<vmem>>, vector<1x1x16xf32>,
      %get3A_395 = vector.shape_cast %get3A_394 : vector<1x1x16xf32> to vector<16xf32>
      %add3A_396 = arith.addf %add3A_338, %get3A_395 : vector<16xf32>
      %get3A_397 = arith.constant 1 : i32
      %get3A_398 = arith.index_cast %get3A_397 : i32 to index
      %get3A_399 = arith.index_cast %scan3A_347 : i32 to index
      %get3A_400 = arith.constant 112 : index
      %get3A_401 = tpu.vector_load %arg6[%get3A_398, %get3A_399, %get3A_400] {strides = array<i32>} : memref<4x128x128xf32, #tpu.memory_space<vmem>>, vector<1x1x16xf32>,
      %get3A_402 = vector.shape_cast %get3A_401 : vector<1x1x16xf32> to vector<16xf32>
      %add3A_403 = arith.addf %add3A_345, %get3A_402 : vector<16xf32>
      scf.yield %add3A_354, %add3A_361, %add3A_368, %add3A_375, %add3A_382, %add3A_389, %add3A_396, %add3A_403 : vector<16xf32>, vector<16xf32>, vector<16xf32>, vector<16xf32>, vector<16xf32>, vector<16xf32>, vector<16xf32>, vector<16xf32>
    }
    %scan3A_98 = arith.constant 128 : i32
    %dma_wait3A_99 = arith.constant 2 : i32
    %dma_wait3A_100 = arith.constant 2 : i32
    %dma_wait3A_101 = arith.constant 0 : i32
    %dma_wait3A_102 = arith.constant 0 : i32
    %dma_wait3A_103 = tpu.memref_slice %arg6[%dma_wait3A_100, %dma_wait3A_101, %dma_wait3A_102] : memref<4x128x128xf32, #tpu.memory_space<vmem>> -> memref<1x128x128xf32, #tpu.memory_space<vmem>>
    %dma_wait3A_104 = tpu.memref_squeeze %dma_wait3A_103 : memref<1x128x128xf32, #tpu.memory_space<vmem>> -> memref<128x128xf32, #tpu.memory_space<vmem>>
    %dma_wait3A_105 = arith.constant 0 : i32
    %dma_wait3A_106 = tpu.memref_slice %arg5[%dma_wait3A_99, %dma_wait3A_105] : memref<4x128xi32, #tpu.memory_space<vmem>> -> memref<1x128xi32, #tpu.memory_space<vmem>>
    %dma_wait3A_107 = tpu.memref_squeeze %dma_wait3A_106 : memref<1x128xi32, #tpu.memory_space<vmem>> -> memref<128xi32, #tpu.memory_space<vmem>>
    %dma_wait3A_108 = arith.constant 0 : i32
    %dma_wait3A_109 = arith.constant 0 : i32
    %dma_wait3A_110 = tpu.memref_slice %arg3[%dma_wait3A_108, %dma_wait3A_109] : memref<100000x128xf32, #tpu.memory_space<hbm>> -> memref<100000x128xf32, #tpu.memory_space<hbm>>
    tpu.wait_indirect_dma semaphore(%arg8 : memref<!tpu.dma_semaphore, #tpu.memory_space<semaphore_mem>>) src(%dma_wait3A_110 : memref<100000x128xf32, #tpu.memory_space<hbm>>) dst(%dma_wait3A_104 : memref<128x128xf32, #tpu.memory_space<vmem>>)
    %scan3A_111 = arith.constant 0 : i32
    %scan3A_112 = arith.constant 128 : i32
    %scan3A_113 = arith.addi %scan3A_111, %scan3A_112 : i32
    %scan3A_114 = arith.constant 4 : i32
    %scan3A_115:8 = scf.for %scan3A_166 = %scan3A_111 to %scan3A_113 step %scan3A_114 iter_args(%scan3A_167 = %scan3A_97#0, %scan3A_168 = %scan3A_97#1, %scan3A_169 = %scan3A_97#2, %scan3A_170 = %scan3A_97#3, %scan3A_171 = %scan3A_97#4, %scan3A_172 = %scan3A_97#5, %scan3A_173 = %scan3A_97#6, %scan3A_174 = %scan3A_97#7) -> (vector<16xf32>, vector<16xf32>, vector<16xf32>, vector<16xf32>, vector<16xf32>, vector<16xf32>, vector<16xf32>, vector<16xf32>)  : i32 {
      %get3A = arith.constant 2 : i32
      %get3A_175 = arith.index_cast %get3A : i32 to index
      %get3A_176 = arith.index_cast %scan3A_166 : i32 to index
      %get3A_177 = arith.constant 0 : index
      %get3A_178 = tpu.vector_load %arg6[%get3A_175, %get3A_176, %get3A_177] {strides = array<i32>} : memref<4x128x128xf32, #tpu.memory_space<vmem>>, vector<1x1x16xf32>,
      %get3A_179 = vector.shape_cast %get3A_178 : vector<1x1x16xf32> to vector<16xf32>
      %add3A_180 = arith.addf %scan3A_167, %get3A_179 : vector<16xf32>
      %get3A_181 = arith.constant 2 : i32
      %get3A_182 = arith.index_cast %get3A_181 : i32 to index
      %get3A_183 = arith.index_cast %scan3A_166 : i32 to index
      %get3A_184 = arith.constant 16 : index
      %get3A_185 = tpu.vector_load %arg6[%get3A_182, %get3A_183, %get3A_184] {strides = array<i32>} : memref<4x128x128xf32, #tpu.memory_space<vmem>>, vector<1x1x16xf32>,
      %get3A_186 = vector.shape_cast %get3A_185 : vector<1x1x16xf32> to vector<16xf32>
      %add3A_187 = arith.addf %scan3A_168, %get3A_186 : vector<16xf32>
      %get3A_188 = arith.constant 2 : i32
      %get3A_189 = arith.index_cast %get3A_188 : i32 to index
      %get3A_190 = arith.index_cast %scan3A_166 : i32 to index
      %get3A_191 = arith.constant 32 : index
      %get3A_192 = tpu.vector_load %arg6[%get3A_189, %get3A_190, %get3A_191] {strides = array<i32>} : memref<4x128x128xf32, #tpu.memory_space<vmem>>, vector<1x1x16xf32>,
      %get3A_193 = vector.shape_cast %get3A_192 : vector<1x1x16xf32> to vector<16xf32>
      %add3A_194 = arith.addf %scan3A_169, %get3A_193 : vector<16xf32>
      %get3A_195 = arith.constant 2 : i32
      %get3A_196 = arith.index_cast %get3A_195 : i32 to index
      %get3A_197 = arith.index_cast %scan3A_166 : i32 to index
      %get3A_198 = arith.constant 48 : index
      %get3A_199 = tpu.vector_load %arg6[%get3A_196, %get3A_197, %get3A_198] {strides = array<i32>} : memref<4x128x128xf32, #tpu.memory_space<vmem>>, vector<1x1x16xf32>,
      %get3A_200 = vector.shape_cast %get3A_199 : vector<1x1x16xf32> to vector<16xf32>
      %add3A_201 = arith.addf %scan3A_170, %get3A_200 : vector<16xf32>
      %get3A_202 = arith.constant 2 : i32
      %get3A_203 = arith.index_cast %get3A_202 : i32 to index
      %get3A_204 = arith.index_cast %scan3A_166 : i32 to index
      %get3A_205 = arith.constant 64 : index
      %get3A_206 = tpu.vector_load %arg6[%get3A_203, %get3A_204, %get3A_205] {strides = array<i32>} : memref<4x128x128xf32, #tpu.memory_space<vmem>>, vector<1x1x16xf32>,
      %get3A_207 = vector.shape_cast %get3A_206 : vector<1x1x16xf32> to vector<16xf32>
      %add3A_208 = arith.addf %scan3A_171, %get3A_207 : vector<16xf32>
      %get3A_209 = arith.constant 2 : i32
      %get3A_210 = arith.index_cast %get3A_209 : i32 to index
      %get3A_211 = arith.index_cast %scan3A_166 : i32 to index
      %get3A_212 = arith.constant 80 : index
      %get3A_213 = tpu.vector_load %arg6[%get3A_210, %get3A_211, %get3A_212] {strides = array<i32>} : memref<4x128x128xf32, #tpu.memory_space<vmem>>, vector<1x1x16xf32>,
      %get3A_214 = vector.shape_cast %get3A_213 : vector<1x1x16xf32> to vector<16xf32>
      %add3A_215 = arith.addf %scan3A_172, %get3A_214 : vector<16xf32>
      %get3A_216 = arith.constant 2 : i32
      %get3A_217 = arith.index_cast %get3A_216 : i32 to index
      %get3A_218 = arith.index_cast %scan3A_166 : i32 to index
      %get3A_219 = arith.constant 96 : index
      %get3A_220 = tpu.vector_load %arg6[%get3A_217, %get3A_218, %get3A_219] {strides = array<i32>} : memref<4x128x128xf32, #tpu.memory_space<vmem>>, vector<1x1x16xf32>,
      %get3A_221 = vector.shape_cast %get3A_220 : vector<1x1x16xf32> to vector<16xf32>
      %add3A_222 = arith.addf %scan3A_173, %get3A_221 : vector<16xf32>
      %get3A_223 = arith.constant 2 : i32
      %get3A_224 = arith.index_cast %get3A_223 : i32 to index
      %get3A_225 = arith.index_cast %scan3A_166 : i32 to index
      %get3A_226 = arith.constant 112 : index
      %get3A_227 = tpu.vector_load %arg6[%get3A_224, %get3A_225, %get3A_226] {strides = array<i32>} : memref<4x128x128xf32, #tpu.memory_space<vmem>>, vector<1x1x16xf32>,
      %get3A_228 = vector.shape_cast %get3A_227 : vector<1x1x16xf32> to vector<16xf32>
      %add3A_229 = arith.addf %scan3A_174, %get3A_228 : vector<16xf32>
      %scan3A_230 = arith.constant 1 : i32
      %scan3A_231 = arith.addi %scan3A_166, %scan3A_230 : i32
      %get3A_232 = arith.constant 2 : i32
      %get3A_233 = arith.index_cast %get3A_232 : i32 to index
      %get3A_234 = arith.index_cast %scan3A_231 : i32 to index
      %get3A_235 = arith.constant 0 : index
      %get3A_236 = tpu.vector_load %arg6[%get3A_233, %get3A_234, %get3A_235] {strides = array<i32>} : memref<4x128x128xf32, #tpu.memory_space<vmem>>, vector<1x1x16xf32>,
      %get3A_237 = vector.shape_cast %get3A_236 : vector<1x1x16xf32> to vector<16xf32>
      %add3A_238 = arith.addf %add3A_180, %get3A_237 : vector<16xf32>
      %get3A_239 = arith.constant 2 : i32
      %get3A_240 = arith.index_cast %get3A_239 : i32 to index
      %get3A_241 = arith.index_cast %scan3A_231 : i32 to index
      %get3A_242 = arith.constant 16 : index
      %get3A_243 = tpu.vector_load %arg6[%get3A_240, %get3A_241, %get3A_242] {strides = array<i32>} : memref<4x128x128xf32, #tpu.memory_space<vmem>>, vector<1x1x16xf32>,
      %get3A_244 = vector.shape_cast %get3A_243 : vector<1x1x16xf32> to vector<16xf32>
      %add3A_245 = arith.addf %add3A_187, %get3A_244 : vector<16xf32>
      %get3A_246 = arith.constant 2 : i32
      %get3A_247 = arith.index_cast %get3A_246 : i32 to index
      %get3A_248 = arith.index_cast %scan3A_231 : i32 to index
      %get3A_249 = arith.constant 32 : index
      %get3A_250 = tpu.vector_load %arg6[%get3A_247, %get3A_248, %get3A_249] {strides = array<i32>} : memref<4x128x128xf32, #tpu.memory_space<vmem>>, vector<1x1x16xf32>,
      %get3A_251 = vector.shape_cast %get3A_250 : vector<1x1x16xf32> to vector<16xf32>
      %add3A_252 = arith.addf %add3A_194, %get3A_251 : vector<16xf32>
      %get3A_253 = arith.constant 2 : i32
      %get3A_254 = arith.index_cast %get3A_253 : i32 to index
      %get3A_255 = arith.index_cast %scan3A_231 : i32 to index
      %get3A_256 = arith.constant 48 : index
      %get3A_257 = tpu.vector_load %arg6[%get3A_254, %get3A_255, %get3A_256] {strides = array<i32>} : memref<4x128x128xf32, #tpu.memory_space<vmem>>, vector<1x1x16xf32>,
      %get3A_258 = vector.shape_cast %get3A_257 : vector<1x1x16xf32> to vector<16xf32>
      %add3A_259 = arith.addf %add3A_201, %get3A_258 : vector<16xf32>
      %get3A_260 = arith.constant 2 : i32
      %get3A_261 = arith.index_cast %get3A_260 : i32 to index
      %get3A_262 = arith.index_cast %scan3A_231 : i32 to index
      %get3A_263 = arith.constant 64 : index
      %get3A_264 = tpu.vector_load %arg6[%get3A_261, %get3A_262, %get3A_263] {strides = array<i32>} : memref<4x128x128xf32, #tpu.memory_space<vmem>>, vector<1x1x16xf32>,
      %get3A_265 = vector.shape_cast %get3A_264 : vector<1x1x16xf32> to vector<16xf32>
      %add3A_266 = arith.addf %add3A_208, %get3A_265 : vector<16xf32>
      %get3A_267 = arith.constant 2 : i32
      %get3A_268 = arith.index_cast %get3A_267 : i32 to index
      %get3A_269 = arith.index_cast %scan3A_231 : i32 to index
      %get3A_270 = arith.constant 80 : index
      %get3A_271 = tpu.vector_load %arg6[%get3A_268, %get3A_269, %get3A_270] {strides = array<i32>} : memref<4x128x128xf32, #tpu.memory_space<vmem>>, vector<1x1x16xf32>,
      %get3A_272 = vector.shape_cast %get3A_271 : vector<1x1x16xf32> to vector<16xf32>
      %add3A_273 = arith.addf %add3A_215, %get3A_272 : vector<16xf32>
      %get3A_274 = arith.constant 2 : i32
      %get3A_275 = arith.index_cast %get3A_274 : i32 to index
      %get3A_276 = arith.index_cast %scan3A_231 : i32 to index
      %get3A_277 = arith.constant 96 : index
      %get3A_278 = tpu.vector_load %arg6[%get3A_275, %get3A_276, %get3A_277] {strides = array<i32>} : memref<4x128x128xf32, #tpu.memory_space<vmem>>, vector<1x1x16xf32>,
      %get3A_279 = vector.shape_cast %get3A_278 : vector<1x1x16xf32> to vector<16xf32>
      %add3A_280 = arith.addf %add3A_222, %get3A_279 : vector<16xf32>
      %get3A_281 = arith.constant 2 : i32
      %get3A_282 = arith.index_cast %get3A_281 : i32 to index
      %get3A_283 = arith.index_cast %scan3A_231 : i32 to index
      %get3A_284 = arith.constant 112 : index
      %get3A_285 = tpu.vector_load %arg6[%get3A_282, %get3A_283, %get3A_284] {strides = array<i32>} : memref<4x128x128xf32, #tpu.memory_space<vmem>>, vector<1x1x16xf32>,
      %get3A_286 = vector.shape_cast %get3A_285 : vector<1x1x16xf32> to vector<16xf32>
      %add3A_287 = arith.addf %add3A_229, %get3A_286 : vector<16xf32>
      %scan3A_288 = arith.constant 2 : i32
      %scan3A_289 = arith.addi %scan3A_166, %scan3A_288 : i32
      %get3A_290 = arith.constant 2 : i32
      %get3A_291 = arith.index_cast %get3A_290 : i32 to index
      %get3A_292 = arith.index_cast %scan3A_289 : i32 to index
      %get3A_293 = arith.constant 0 : index
      %get3A_294 = tpu.vector_load %arg6[%get3A_291, %get3A_292, %get3A_293] {strides = array<i32>} : memref<4x128x128xf32, #tpu.memory_space<vmem>>, vector<1x1x16xf32>,
      %get3A_295 = vector.shape_cast %get3A_294 : vector<1x1x16xf32> to vector<16xf32>
      %add3A_296 = arith.addf %add3A_238, %get3A_295 : vector<16xf32>
      %get3A_297 = arith.constant 2 : i32
      %get3A_298 = arith.index_cast %get3A_297 : i32 to index
      %get3A_299 = arith.index_cast %scan3A_289 : i32 to index
      %get3A_300 = arith.constant 16 : index
      %get3A_301 = tpu.vector_load %arg6[%get3A_298, %get3A_299, %get3A_300] {strides = array<i32>} : memref<4x128x128xf32, #tpu.memory_space<vmem>>, vector<1x1x16xf32>,
      %get3A_302 = vector.shape_cast %get3A_301 : vector<1x1x16xf32> to vector<16xf32>
      %add3A_303 = arith.addf %add3A_245, %get3A_302 : vector<16xf32>
      %get3A_304 = arith.constant 2 : i32
      %get3A_305 = arith.index_cast %get3A_304 : i32 to index
      %get3A_306 = arith.index_cast %scan3A_289 : i32 to index
      %get3A_307 = arith.constant 32 : index
      %get3A_308 = tpu.vector_load %arg6[%get3A_305, %get3A_306, %get3A_307] {strides = array<i32>} : memref<4x128x128xf32, #tpu.memory_space<vmem>>, vector<1x1x16xf32>,
      %get3A_309 = vector.shape_cast %get3A_308 : vector<1x1x16xf32> to vector<16xf32>
      %add3A_310 = arith.addf %add3A_252, %get3A_309 : vector<16xf32>
      %get3A_311 = arith.constant 2 : i32
      %get3A_312 = arith.index_cast %get3A_311 : i32 to index
      %get3A_313 = arith.index_cast %scan3A_289 : i32 to index
      %get3A_314 = arith.constant 48 : index
      %get3A_315 = tpu.vector_load %arg6[%get3A_312, %get3A_313, %get3A_314] {strides = array<i32>} : memref<4x128x128xf32, #tpu.memory_space<vmem>>, vector<1x1x16xf32>,
      %get3A_316 = vector.shape_cast %get3A_315 : vector<1x1x16xf32> to vector<16xf32>
      %add3A_317 = arith.addf %add3A_259, %get3A_316 : vector<16xf32>
      %get3A_318 = arith.constant 2 : i32
      %get3A_319 = arith.index_cast %get3A_318 : i32 to index
      %get3A_320 = arith.index_cast %scan3A_289 : i32 to index
      %get3A_321 = arith.constant 64 : index
      %get3A_322 = tpu.vector_load %arg6[%get3A_319, %get3A_320, %get3A_321] {strides = array<i32>} : memref<4x128x128xf32, #tpu.memory_space<vmem>>, vector<1x1x16xf32>,
      %get3A_323 = vector.shape_cast %get3A_322 : vector<1x1x16xf32> to vector<16xf32>
      %add3A_324 = arith.addf %add3A_266, %get3A_323 : vector<16xf32>
      %get3A_325 = arith.constant 2 : i32
      %get3A_326 = arith.index_cast %get3A_325 : i32 to index
      %get3A_327 = arith.index_cast %scan3A_289 : i32 to index
      %get3A_328 = arith.constant 80 : index
      %get3A_329 = tpu.vector_load %arg6[%get3A_326, %get3A_327, %get3A_328] {strides = array<i32>} : memref<4x128x128xf32, #tpu.memory_space<vmem>>, vector<1x1x16xf32>,
      %get3A_330 = vector.shape_cast %get3A_329 : vector<1x1x16xf32> to vector<16xf32>
      %add3A_331 = arith.addf %add3A_273, %get3A_330 : vector<16xf32>
      %get3A_332 = arith.constant 2 : i32
      %get3A_333 = arith.index_cast %get3A_332 : i32 to index
      %get3A_334 = arith.index_cast %scan3A_289 : i32 to index
      %get3A_335 = arith.constant 96 : index
      %get3A_336 = tpu.vector_load %arg6[%get3A_333, %get3A_334, %get3A_335] {strides = array<i32>} : memref<4x128x128xf32, #tpu.memory_space<vmem>>, vector<1x1x16xf32>,
      %get3A_337 = vector.shape_cast %get3A_336 : vector<1x1x16xf32> to vector<16xf32>
      %add3A_338 = arith.addf %add3A_280, %get3A_337 : vector<16xf32>
      %get3A_339 = arith.constant 2 : i32
      %get3A_340 = arith.index_cast %get3A_339 : i32 to index
      %get3A_341 = arith.index_cast %scan3A_289 : i32 to index
      %get3A_342 = arith.constant 112 : index
      %get3A_343 = tpu.vector_load %arg6[%get3A_340, %get3A_341, %get3A_342] {strides = array<i32>} : memref<4x128x128xf32, #tpu.memory_space<vmem>>, vector<1x1x16xf32>,
      %get3A_344 = vector.shape_cast %get3A_343 : vector<1x1x16xf32> to vector<16xf32>
      %add3A_345 = arith.addf %add3A_287, %get3A_344 : vector<16xf32>
      %scan3A_346 = arith.constant 3 : i32
      %scan3A_347 = arith.addi %scan3A_166, %scan3A_346 : i32
      %get3A_348 = arith.constant 2 : i32
      %get3A_349 = arith.index_cast %get3A_348 : i32 to index
      %get3A_350 = arith.index_cast %scan3A_347 : i32 to index
      %get3A_351 = arith.constant 0 : index
      %get3A_352 = tpu.vector_load %arg6[%get3A_349, %get3A_350, %get3A_351] {strides = array<i32>} : memref<4x128x128xf32, #tpu.memory_space<vmem>>, vector<1x1x16xf32>,
      %get3A_353 = vector.shape_cast %get3A_352 : vector<1x1x16xf32> to vector<16xf32>
      %add3A_354 = arith.addf %add3A_296, %get3A_353 : vector<16xf32>
      %get3A_355 = arith.constant 2 : i32
      %get3A_356 = arith.index_cast %get3A_355 : i32 to index
      %get3A_357 = arith.index_cast %scan3A_347 : i32 to index
      %get3A_358 = arith.constant 16 : index
      %get3A_359 = tpu.vector_load %arg6[%get3A_356, %get3A_357, %get3A_358] {strides = array<i32>} : memref<4x128x128xf32, #tpu.memory_space<vmem>>, vector<1x1x16xf32>,
      %get3A_360 = vector.shape_cast %get3A_359 : vector<1x1x16xf32> to vector<16xf32>
      %add3A_361 = arith.addf %add3A_303, %get3A_360 : vector<16xf32>
      %get3A_362 = arith.constant 2 : i32
      %get3A_363 = arith.index_cast %get3A_362 : i32 to index
      %get3A_364 = arith.index_cast %scan3A_347 : i32 to index
      %get3A_365 = arith.constant 32 : index
      %get3A_366 = tpu.vector_load %arg6[%get3A_363, %get3A_364, %get3A_365] {strides = array<i32>} : memref<4x128x128xf32, #tpu.memory_space<vmem>>, vector<1x1x16xf32>,
      %get3A_367 = vector.shape_cast %get3A_366 : vector<1x1x16xf32> to vector<16xf32>
      %add3A_368 = arith.addf %add3A_310, %get3A_367 : vector<16xf32>
      %get3A_369 = arith.constant 2 : i32
      %get3A_370 = arith.index_cast %get3A_369 : i32 to index
      %get3A_371 = arith.index_cast %scan3A_347 : i32 to index
      %get3A_372 = arith.constant 48 : index
      %get3A_373 = tpu.vector_load %arg6[%get3A_370, %get3A_371, %get3A_372] {strides = array<i32>} : memref<4x128x128xf32, #tpu.memory_space<vmem>>, vector<1x1x16xf32>,
      %get3A_374 = vector.shape_cast %get3A_373 : vector<1x1x16xf32> to vector<16xf32>
      %add3A_375 = arith.addf %add3A_317, %get3A_374 : vector<16xf32>
      %get3A_376 = arith.constant 2 : i32
      %get3A_377 = arith.index_cast %get3A_376 : i32 to index
      %get3A_378 = arith.index_cast %scan3A_347 : i32 to index
      %get3A_379 = arith.constant 64 : index
      %get3A_380 = tpu.vector_load %arg6[%get3A_377, %get3A_378, %get3A_379] {strides = array<i32>} : memref<4x128x128xf32, #tpu.memory_space<vmem>>, vector<1x1x16xf32>,
      %get3A_381 = vector.shape_cast %get3A_380 : vector<1x1x16xf32> to vector<16xf32>
      %add3A_382 = arith.addf %add3A_324, %get3A_381 : vector<16xf32>
      %get3A_383 = arith.constant 2 : i32
      %get3A_384 = arith.index_cast %get3A_383 : i32 to index
      %get3A_385 = arith.index_cast %scan3A_347 : i32 to index
      %get3A_386 = arith.constant 80 : index
      %get3A_387 = tpu.vector_load %arg6[%get3A_384, %get3A_385, %get3A_386] {strides = array<i32>} : memref<4x128x128xf32, #tpu.memory_space<vmem>>, vector<1x1x16xf32>,
      %get3A_388 = vector.shape_cast %get3A_387 : vector<1x1x16xf32> to vector<16xf32>
      %add3A_389 = arith.addf %add3A_331, %get3A_388 : vector<16xf32>
      %get3A_390 = arith.constant 2 : i32
      %get3A_391 = arith.index_cast %get3A_390 : i32 to index
      %get3A_392 = arith.index_cast %scan3A_347 : i32 to index
      %get3A_393 = arith.constant 96 : index
      %get3A_394 = tpu.vector_load %arg6[%get3A_391, %get3A_392, %get3A_393] {strides = array<i32>} : memref<4x128x128xf32, #tpu.memory_space<vmem>>, vector<1x1x16xf32>,
      %get3A_395 = vector.shape_cast %get3A_394 : vector<1x1x16xf32> to vector<16xf32>
      %add3A_396 = arith.addf %add3A_338, %get3A_395 : vector<16xf32>
      %get3A_397 = arith.constant 2 : i32
      %get3A_398 = arith.index_cast %get3A_397 : i32 to index
      %get3A_399 = arith.index_cast %scan3A_347 : i32 to index
      %get3A_400 = arith.constant 112 : index
      %get3A_401 = tpu.vector_load %arg6[%get3A_398, %get3A_399, %get3A_400] {strides = array<i32>} : memref<4x128x128xf32, #tpu.memory_space<vmem>>, vector<1x1x16xf32>,
      %get3A_402 = vector.shape_cast %get3A_401 : vector<1x1x16xf32> to vector<16xf32>
      %add3A_403 = arith.addf %add3A_345, %get3A_402 : vector<16xf32>
      scf.yield %add3A_354, %add3A_361, %add3A_368, %add3A_375, %add3A_382, %add3A_389, %add3A_396, %add3A_403 : vector<16xf32>, vector<16xf32>, vector<16xf32>, vector<16xf32>, vector<16xf32>, vector<16xf32>, vector<16xf32>, vector<16xf32>
    }
    %scan3A_116 = arith.constant 128 : i32
    %dma_wait3A_117 = arith.constant 3 : i32
    %dma_wait3A_118 = arith.constant 3 : i32
    %dma_wait3A_119 = arith.constant 0 : i32
    %dma_wait3A_120 = arith.constant 0 : i32
    %dma_wait3A_121 = tpu.memref_slice %arg6[%dma_wait3A_118, %dma_wait3A_119, %dma_wait3A_120] : memref<4x128x128xf32, #tpu.memory_space<vmem>> -> memref<1x128x128xf32, #tpu.memory_space<vmem>>
    %dma_wait3A_122 = tpu.memref_squeeze %dma_wait3A_121 : memref<1x128x128xf32, #tpu.memory_space<vmem>> -> memref<128x128xf32, #tpu.memory_space<vmem>>
    %dma_wait3A_123 = arith.constant 0 : i32
    %dma_wait3A_124 = tpu.memref_slice %arg5[%dma_wait3A_117, %dma_wait3A_123] : memref<4x128xi32, #tpu.memory_space<vmem>> -> memref<1x128xi32, #tpu.memory_space<vmem>>
    %dma_wait3A_125 = tpu.memref_squeeze %dma_wait3A_124 : memref<1x128xi32, #tpu.memory_space<vmem>> -> memref<128xi32, #tpu.memory_space<vmem>>
    %dma_wait3A_126 = arith.constant 0 : i32
    %dma_wait3A_127 = arith.constant 0 : i32
    %dma_wait3A_128 = tpu.memref_slice %arg3[%dma_wait3A_126, %dma_wait3A_127] : memref<100000x128xf32, #tpu.memory_space<hbm>> -> memref<100000x128xf32, #tpu.memory_space<hbm>>
    tpu.wait_indirect_dma semaphore(%arg8 : memref<!tpu.dma_semaphore, #tpu.memory_space<semaphore_mem>>) src(%dma_wait3A_128 : memref<100000x128xf32, #tpu.memory_space<hbm>>) dst(%dma_wait3A_122 : memref<128x128xf32, #tpu.memory_space<vmem>>)
    %scan3A_129 = arith.constant 0 : i32
    %scan3A_130 = arith.constant 128 : i32
    %scan3A_131 = arith.addi %scan3A_129, %scan3A_130 : i32
    %scan3A_132 = arith.constant 4 : i32
    %scan3A_133:8 = scf.for %scan3A_166 = %scan3A_129 to %scan3A_131 step %scan3A_132 iter_args(%scan3A_167 = %scan3A_115#0, %scan3A_168 = %scan3A_115#1, %scan3A_169 = %scan3A_115#2, %scan3A_170 = %scan3A_115#3, %scan3A_171 = %scan3A_115#4, %scan3A_172 = %scan3A_115#5, %scan3A_173 = %scan3A_115#6, %scan3A_174 = %scan3A_115#7) -> (vector<16xf32>, vector<16xf32>, vector<16xf32>, vector<16xf32>, vector<16xf32>, vector<16xf32>, vector<16xf32>, vector<16xf32>)  : i32 {
      %get3A = arith.constant 3 : i32
      %get3A_175 = arith.index_cast %get3A : i32 to index
      %get3A_176 = arith.index_cast %scan3A_166 : i32 to index
      %get3A_177 = arith.constant 0 : index
      %get3A_178 = tpu.vector_load %arg6[%get3A_175, %get3A_176, %get3A_177] {strides = array<i32>} : memref<4x128x128xf32, #tpu.memory_space<vmem>>, vector<1x1x16xf32>,
      %get3A_179 = vector.shape_cast %get3A_178 : vector<1x1x16xf32> to vector<16xf32>
      %add3A_180 = arith.addf %scan3A_167, %get3A_179 : vector<16xf32>
      %get3A_181 = arith.constant 3 : i32
      %get3A_182 = arith.index_cast %get3A_181 : i32 to index
      %get3A_183 = arith.index_cast %scan3A_166 : i32 to index
      %get3A_184 = arith.constant 16 : index
      %get3A_185 = tpu.vector_load %arg6[%get3A_182, %get3A_183, %get3A_184] {strides = array<i32>} : memref<4x128x128xf32, #tpu.memory_space<vmem>>, vector<1x1x16xf32>,
      %get3A_186 = vector.shape_cast %get3A_185 : vector<1x1x16xf32> to vector<16xf32>
      %add3A_187 = arith.addf %scan3A_168, %get3A_186 : vector<16xf32>
      %get3A_188 = arith.constant 3 : i32
      %get3A_189 = arith.index_cast %get3A_188 : i32 to index
      %get3A_190 = arith.index_cast %scan3A_166 : i32 to index
      %get3A_191 = arith.constant 32 : index
      %get3A_192 = tpu.vector_load %arg6[%get3A_189, %get3A_190, %get3A_191] {strides = array<i32>} : memref<4x128x128xf32, #tpu.memory_space<vmem>>, vector<1x1x16xf32>,
      %get3A_193 = vector.shape_cast %get3A_192 : vector<1x1x16xf32> to vector<16xf32>
      %add3A_194 = arith.addf %scan3A_169, %get3A_193 : vector<16xf32>
      %get3A_195 = arith.constant 3 : i32
      %get3A_196 = arith.index_cast %get3A_195 : i32 to index
      %get3A_197 = arith.index_cast %scan3A_166 : i32 to index
      %get3A_198 = arith.constant 48 : index
      %get3A_199 = tpu.vector_load %arg6[%get3A_196, %get3A_197, %get3A_198] {strides = array<i32>} : memref<4x128x128xf32, #tpu.memory_space<vmem>>, vector<1x1x16xf32>,
      %get3A_200 = vector.shape_cast %get3A_199 : vector<1x1x16xf32> to vector<16xf32>
      %add3A_201 = arith.addf %scan3A_170, %get3A_200 : vector<16xf32>
      %get3A_202 = arith.constant 3 : i32
      %get3A_203 = arith.index_cast %get3A_202 : i32 to index
      %get3A_204 = arith.index_cast %scan3A_166 : i32 to index
      %get3A_205 = arith.constant 64 : index
      %get3A_206 = tpu.vector_load %arg6[%get3A_203, %get3A_204, %get3A_205] {strides = array<i32>} : memref<4x128x128xf32, #tpu.memory_space<vmem>>, vector<1x1x16xf32>,
      %get3A_207 = vector.shape_cast %get3A_206 : vector<1x1x16xf32> to vector<16xf32>
      %add3A_208 = arith.addf %scan3A_171, %get3A_207 : vector<16xf32>
      %get3A_209 = arith.constant 3 : i32
      %get3A_210 = arith.index_cast %get3A_209 : i32 to index
      %get3A_211 = arith.index_cast %scan3A_166 : i32 to index
      %get3A_212 = arith.constant 80 : index
      %get3A_213 = tpu.vector_load %arg6[%get3A_210, %get3A_211, %get3A_212] {strides = array<i32>} : memref<4x128x128xf32, #tpu.memory_space<vmem>>, vector<1x1x16xf32>,
      %get3A_214 = vector.shape_cast %get3A_213 : vector<1x1x16xf32> to vector<16xf32>
      %add3A_215 = arith.addf %scan3A_172, %get3A_214 : vector<16xf32>
      %get3A_216 = arith.constant 3 : i32
      %get3A_217 = arith.index_cast %get3A_216 : i32 to index
      %get3A_218 = arith.index_cast %scan3A_166 : i32 to index
      %get3A_219 = arith.constant 96 : index
      %get3A_220 = tpu.vector_load %arg6[%get3A_217, %get3A_218, %get3A_219] {strides = array<i32>} : memref<4x128x128xf32, #tpu.memory_space<vmem>>, vector<1x1x16xf32>,
      %get3A_221 = vector.shape_cast %get3A_220 : vector<1x1x16xf32> to vector<16xf32>
      %add3A_222 = arith.addf %scan3A_173, %get3A_221 : vector<16xf32>
      %get3A_223 = arith.constant 3 : i32
      %get3A_224 = arith.index_cast %get3A_223 : i32 to index
      %get3A_225 = arith.index_cast %scan3A_166 : i32 to index
      %get3A_226 = arith.constant 112 : index
      %get3A_227 = tpu.vector_load %arg6[%get3A_224, %get3A_225, %get3A_226] {strides = array<i32>} : memref<4x128x128xf32, #tpu.memory_space<vmem>>, vector<1x1x16xf32>,
      %get3A_228 = vector.shape_cast %get3A_227 : vector<1x1x16xf32> to vector<16xf32>
      %add3A_229 = arith.addf %scan3A_174, %get3A_228 : vector<16xf32>
      %scan3A_230 = arith.constant 1 : i32
      %scan3A_231 = arith.addi %scan3A_166, %scan3A_230 : i32
      %get3A_232 = arith.constant 3 : i32
      %get3A_233 = arith.index_cast %get3A_232 : i32 to index
      %get3A_234 = arith.index_cast %scan3A_231 : i32 to index
      %get3A_235 = arith.constant 0 : index
      %get3A_236 = tpu.vector_load %arg6[%get3A_233, %get3A_234, %get3A_235] {strides = array<i32>} : memref<4x128x128xf32, #tpu.memory_space<vmem>>, vector<1x1x16xf32>,
      %get3A_237 = vector.shape_cast %get3A_236 : vector<1x1x16xf32> to vector<16xf32>
      %add3A_238 = arith.addf %add3A_180, %get3A_237 : vector<16xf32>
      %get3A_239 = arith.constant 3 : i32
      %get3A_240 = arith.index_cast %get3A_239 : i32 to index
      %get3A_241 = arith.index_cast %scan3A_231 : i32 to index
      %get3A_242 = arith.constant 16 : index
      %get3A_243 = tpu.vector_load %arg6[%get3A_240, %get3A_241, %get3A_242] {strides = array<i32>} : memref<4x128x128xf32, #tpu.memory_space<vmem>>, vector<1x1x16xf32>,
      %get3A_244 = vector.shape_cast %get3A_243 : vector<1x1x16xf32> to vector<16xf32>
      %add3A_245 = arith.addf %add3A_187, %get3A_244 : vector<16xf32>
      %get3A_246 = arith.constant 3 : i32
      %get3A_247 = arith.index_cast %get3A_246 : i32 to index
      %get3A_248 = arith.index_cast %scan3A_231 : i32 to index
      %get3A_249 = arith.constant 32 : index
      %get3A_250 = tpu.vector_load %arg6[%get3A_247, %get3A_248, %get3A_249] {strides = array<i32>} : memref<4x128x128xf32, #tpu.memory_space<vmem>>, vector<1x1x16xf32>,
      %get3A_251 = vector.shape_cast %get3A_250 : vector<1x1x16xf32> to vector<16xf32>
      %add3A_252 = arith.addf %add3A_194, %get3A_251 : vector<16xf32>
      %get3A_253 = arith.constant 3 : i32
      %get3A_254 = arith.index_cast %get3A_253 : i32 to index
      %get3A_255 = arith.index_cast %scan3A_231 : i32 to index
      %get3A_256 = arith.constant 48 : index
      %get3A_257 = tpu.vector_load %arg6[%get3A_254, %get3A_255, %get3A_256] {strides = array<i32>} : memref<4x128x128xf32, #tpu.memory_space<vmem>>, vector<1x1x16xf32>,
      %get3A_258 = vector.shape_cast %get3A_257 : vector<1x1x16xf32> to vector<16xf32>
      %add3A_259 = arith.addf %add3A_201, %get3A_258 : vector<16xf32>
      %get3A_260 = arith.constant 3 : i32
      %get3A_261 = arith.index_cast %get3A_260 : i32 to index
      %get3A_262 = arith.index_cast %scan3A_231 : i32 to index
      %get3A_263 = arith.constant 64 : index
      %get3A_264 = tpu.vector_load %arg6[%get3A_261, %get3A_262, %get3A_263] {strides = array<i32>} : memref<4x128x128xf32, #tpu.memory_space<vmem>>, vector<1x1x16xf32>,
      %get3A_265 = vector.shape_cast %get3A_264 : vector<1x1x16xf32> to vector<16xf32>
      %add3A_266 = arith.addf %add3A_208, %get3A_265 : vector<16xf32>
      %get3A_267 = arith.constant 3 : i32
      %get3A_268 = arith.index_cast %get3A_267 : i32 to index
      %get3A_269 = arith.index_cast %scan3A_231 : i32 to index
      %get3A_270 = arith.constant 80 : index
      %get3A_271 = tpu.vector_load %arg6[%get3A_268, %get3A_269, %get3A_270] {strides = array<i32>} : memref<4x128x128xf32, #tpu.memory_space<vmem>>, vector<1x1x16xf32>,
      %get3A_272 = vector.shape_cast %get3A_271 : vector<1x1x16xf32> to vector<16xf32>
      %add3A_273 = arith.addf %add3A_215, %get3A_272 : vector<16xf32>
      %get3A_274 = arith.constant 3 : i32
      %get3A_275 = arith.index_cast %get3A_274 : i32 to index
      %get3A_276 = arith.index_cast %scan3A_231 : i32 to index
      %get3A_277 = arith.constant 96 : index
      %get3A_278 = tpu.vector_load %arg6[%get3A_275, %get3A_276, %get3A_277] {strides = array<i32>} : memref<4x128x128xf32, #tpu.memory_space<vmem>>, vector<1x1x16xf32>,
      %get3A_279 = vector.shape_cast %get3A_278 : vector<1x1x16xf32> to vector<16xf32>
      %add3A_280 = arith.addf %add3A_222, %get3A_279 : vector<16xf32>
      %get3A_281 = arith.constant 3 : i32
      %get3A_282 = arith.index_cast %get3A_281 : i32 to index
      %get3A_283 = arith.index_cast %scan3A_231 : i32 to index
      %get3A_284 = arith.constant 112 : index
      %get3A_285 = tpu.vector_load %arg6[%get3A_282, %get3A_283, %get3A_284] {strides = array<i32>} : memref<4x128x128xf32, #tpu.memory_space<vmem>>, vector<1x1x16xf32>,
      %get3A_286 = vector.shape_cast %get3A_285 : vector<1x1x16xf32> to vector<16xf32>
      %add3A_287 = arith.addf %add3A_229, %get3A_286 : vector<16xf32>
      %scan3A_288 = arith.constant 2 : i32
      %scan3A_289 = arith.addi %scan3A_166, %scan3A_288 : i32
      %get3A_290 = arith.constant 3 : i32
      %get3A_291 = arith.index_cast %get3A_290 : i32 to index
      %get3A_292 = arith.index_cast %scan3A_289 : i32 to index
      %get3A_293 = arith.constant 0 : index
      %get3A_294 = tpu.vector_load %arg6[%get3A_291, %get3A_292, %get3A_293] {strides = array<i32>} : memref<4x128x128xf32, #tpu.memory_space<vmem>>, vector<1x1x16xf32>,
      %get3A_295 = vector.shape_cast %get3A_294 : vector<1x1x16xf32> to vector<16xf32>
      %add3A_296 = arith.addf %add3A_238, %get3A_295 : vector<16xf32>
      %get3A_297 = arith.constant 3 : i32
      %get3A_298 = arith.index_cast %get3A_297 : i32 to index
      %get3A_299 = arith.index_cast %scan3A_289 : i32 to index
      %get3A_300 = arith.constant 16 : index
      %get3A_301 = tpu.vector_load %arg6[%get3A_298, %get3A_299, %get3A_300] {strides = array<i32>} : memref<4x128x128xf32, #tpu.memory_space<vmem>>, vector<1x1x16xf32>,
      %get3A_302 = vector.shape_cast %get3A_301 : vector<1x1x16xf32> to vector<16xf32>
      %add3A_303 = arith.addf %add3A_245, %get3A_302 : vector<16xf32>
      %get3A_304 = arith.constant 3 : i32
      %get3A_305 = arith.index_cast %get3A_304 : i32 to index
      %get3A_306 = arith.index_cast %scan3A_289 : i32 to index
      %get3A_307 = arith.constant 32 : index
      %get3A_308 = tpu.vector_load %arg6[%get3A_305, %get3A_306, %get3A_307] {strides = array<i32>} : memref<4x128x128xf32, #tpu.memory_space<vmem>>, vector<1x1x16xf32>,
      %get3A_309 = vector.shape_cast %get3A_308 : vector<1x1x16xf32> to vector<16xf32>
      %add3A_310 = arith.addf %add3A_252, %get3A_309 : vector<16xf32>
      %get3A_311 = arith.constant 3 : i32
      %get3A_312 = arith.index_cast %get3A_311 : i32 to index
      %get3A_313 = arith.index_cast %scan3A_289 : i32 to index
      %get3A_314 = arith.constant 48 : index
      %get3A_315 = tpu.vector_load %arg6[%get3A_312, %get3A_313, %get3A_314] {strides = array<i32>} : memref<4x128x128xf32, #tpu.memory_space<vmem>>, vector<1x1x16xf32>,
      %get3A_316 = vector.shape_cast %get3A_315 : vector<1x1x16xf32> to vector<16xf32>
      %add3A_317 = arith.addf %add3A_259, %get3A_316 : vector<16xf32>
      %get3A_318 = arith.constant 3 : i32
      %get3A_319 = arith.index_cast %get3A_318 : i32 to index
      %get3A_320 = arith.index_cast %scan3A_289 : i32 to index
      %get3A_321 = arith.constant 64 : index
      %get3A_322 = tpu.vector_load %arg6[%get3A_319, %get3A_320, %get3A_321] {strides = array<i32>} : memref<4x128x128xf32, #tpu.memory_space<vmem>>, vector<1x1x16xf32>,
      %get3A_323 = vector.shape_cast %get3A_322 : vector<1x1x16xf32> to vector<16xf32>
      %add3A_324 = arith.addf %add3A_266, %get3A_323 : vector<16xf32>
      %get3A_325 = arith.constant 3 : i32
      %get3A_326 = arith.index_cast %get3A_325 : i32 to index
      %get3A_327 = arith.index_cast %scan3A_289 : i32 to index
      %get3A_328 = arith.constant 80 : index
      %get3A_329 = tpu.vector_load %arg6[%get3A_326, %get3A_327, %get3A_328] {strides = array<i32>} : memref<4x128x128xf32, #tpu.memory_space<vmem>>, vector<1x1x16xf32>,
      %get3A_330 = vector.shape_cast %get3A_329 : vector<1x1x16xf32> to vector<16xf32>
      %add3A_331 = arith.addf %add3A_273, %get3A_330 : vector<16xf32>
      %get3A_332 = arith.constant 3 : i32
      %get3A_333 = arith.index_cast %get3A_332 : i32 to index
      %get3A_334 = arith.index_cast %scan3A_289 : i32 to index
      %get3A_335 = arith.constant 96 : index
      %get3A_336 = tpu.vector_load %arg6[%get3A_333, %get3A_334, %get3A_335] {strides = array<i32>} : memref<4x128x128xf32, #tpu.memory_space<vmem>>, vector<1x1x16xf32>,
      %get3A_337 = vector.shape_cast %get3A_336 : vector<1x1x16xf32> to vector<16xf32>
      %add3A_338 = arith.addf %add3A_280, %get3A_337 : vector<16xf32>
      %get3A_339 = arith.constant 3 : i32
      %get3A_340 = arith.index_cast %get3A_339 : i32 to index
      %get3A_341 = arith.index_cast %scan3A_289 : i32 to index
      %get3A_342 = arith.constant 112 : index
      %get3A_343 = tpu.vector_load %arg6[%get3A_340, %get3A_341, %get3A_342] {strides = array<i32>} : memref<4x128x128xf32, #tpu.memory_space<vmem>>, vector<1x1x16xf32>,
      %get3A_344 = vector.shape_cast %get3A_343 : vector<1x1x16xf32> to vector<16xf32>
      %add3A_345 = arith.addf %add3A_287, %get3A_344 : vector<16xf32>
      %scan3A_346 = arith.constant 3 : i32
      %scan3A_347 = arith.addi %scan3A_166, %scan3A_346 : i32
      %get3A_348 = arith.constant 3 : i32
      %get3A_349 = arith.index_cast %get3A_348 : i32 to index
      %get3A_350 = arith.index_cast %scan3A_347 : i32 to index
      %get3A_351 = arith.constant 0 : index
      %get3A_352 = tpu.vector_load %arg6[%get3A_349, %get3A_350, %get3A_351] {strides = array<i32>} : memref<4x128x128xf32, #tpu.memory_space<vmem>>, vector<1x1x16xf32>,
      %get3A_353 = vector.shape_cast %get3A_352 : vector<1x1x16xf32> to vector<16xf32>
      %add3A_354 = arith.addf %add3A_296, %get3A_353 : vector<16xf32>
      %get3A_355 = arith.constant 3 : i32
      %get3A_356 = arith.index_cast %get3A_355 : i32 to index
      %get3A_357 = arith.index_cast %scan3A_347 : i32 to index
      %get3A_358 = arith.constant 16 : index
      %get3A_359 = tpu.vector_load %arg6[%get3A_356, %get3A_357, %get3A_358] {strides = array<i32>} : memref<4x128x128xf32, #tpu.memory_space<vmem>>, vector<1x1x16xf32>,
      %get3A_360 = vector.shape_cast %get3A_359 : vector<1x1x16xf32> to vector<16xf32>
      %add3A_361 = arith.addf %add3A_303, %get3A_360 : vector<16xf32>
      %get3A_362 = arith.constant 3 : i32
      %get3A_363 = arith.index_cast %get3A_362 : i32 to index
      %get3A_364 = arith.index_cast %scan3A_347 : i32 to index
      %get3A_365 = arith.constant 32 : index
      %get3A_366 = tpu.vector_load %arg6[%get3A_363, %get3A_364, %get3A_365] {strides = array<i32>} : memref<4x128x128xf32, #tpu.memory_space<vmem>>, vector<1x1x16xf32>,
      %get3A_367 = vector.shape_cast %get3A_366 : vector<1x1x16xf32> to vector<16xf32>
      %add3A_368 = arith.addf %add3A_310, %get3A_367 : vector<16xf32>
      %get3A_369 = arith.constant 3 : i32
      %get3A_370 = arith.index_cast %get3A_369 : i32 to index
      %get3A_371 = arith.index_cast %scan3A_347 : i32 to index
      %get3A_372 = arith.constant 48 : index
      %get3A_373 = tpu.vector_load %arg6[%get3A_370, %get3A_371, %get3A_372] {strides = array<i32>} : memref<4x128x128xf32, #tpu.memory_space<vmem>>, vector<1x1x16xf32>,
      %get3A_374 = vector.shape_cast %get3A_373 : vector<1x1x16xf32> to vector<16xf32>
      %add3A_375 = arith.addf %add3A_317, %get3A_374 : vector<16xf32>
      %get3A_376 = arith.constant 3 : i32
      %get3A_377 = arith.index_cast %get3A_376 : i32 to index
      %get3A_378 = arith.index_cast %scan3A_347 : i32 to index
      %get3A_379 = arith.constant 64 : index
      %get3A_380 = tpu.vector_load %arg6[%get3A_377, %get3A_378, %get3A_379] {strides = array<i32>} : memref<4x128x128xf32, #tpu.memory_space<vmem>>, vector<1x1x16xf32>,
      %get3A_381 = vector.shape_cast %get3A_380 : vector<1x1x16xf32> to vector<16xf32>
      %add3A_382 = arith.addf %add3A_324, %get3A_381 : vector<16xf32>
      %get3A_383 = arith.constant 3 : i32
      %get3A_384 = arith.index_cast %get3A_383 : i32 to index
      %get3A_385 = arith.index_cast %scan3A_347 : i32 to index
      %get3A_386 = arith.constant 80 : index
      %get3A_387 = tpu.vector_load %arg6[%get3A_384, %get3A_385, %get3A_386] {strides = array<i32>} : memref<4x128x128xf32, #tpu.memory_space<vmem>>, vector<1x1x16xf32>,
      %get3A_388 = vector.shape_cast %get3A_387 : vector<1x1x16xf32> to vector<16xf32>
      %add3A_389 = arith.addf %add3A_331, %get3A_388 : vector<16xf32>
      %get3A_390 = arith.constant 3 : i32
      %get3A_391 = arith.index_cast %get3A_390 : i32 to index
      %get3A_392 = arith.index_cast %scan3A_347 : i32 to index
      %get3A_393 = arith.constant 96 : index
      %get3A_394 = tpu.vector_load %arg6[%get3A_391, %get3A_392, %get3A_393] {strides = array<i32>} : memref<4x128x128xf32, #tpu.memory_space<vmem>>, vector<1x1x16xf32>,
      %get3A_395 = vector.shape_cast %get3A_394 : vector<1x1x16xf32> to vector<16xf32>
      %add3A_396 = arith.addf %add3A_338, %get3A_395 : vector<16xf32>
      %get3A_397 = arith.constant 3 : i32
      %get3A_398 = arith.index_cast %get3A_397 : i32 to index
      %get3A_399 = arith.index_cast %scan3A_347 : i32 to index
      %get3A_400 = arith.constant 112 : index
      %get3A_401 = tpu.vector_load %arg6[%get3A_398, %get3A_399, %get3A_400] {strides = array<i32>} : memref<4x128x128xf32, #tpu.memory_space<vmem>>, vector<1x1x16xf32>,
      %get3A_402 = vector.shape_cast %get3A_401 : vector<1x1x16xf32> to vector<16xf32>
      %add3A_403 = arith.addf %add3A_345, %get3A_402 : vector<16xf32>
      scf.yield %add3A_354, %add3A_361, %add3A_368, %add3A_375, %add3A_382, %add3A_389, %add3A_396, %add3A_403 : vector<16xf32>, vector<16xf32>, vector<16xf32>, vector<16xf32>, vector<16xf32>, vector<16xf32>, vector<16xf32>, vector<16xf32>
    }
    %scan3A_134 = arith.constant 128 : i32
    %swap3A = arith.constant 0 : index
    %swap3A_135 = tpu.vector_load %arg7[%swap3A] {strides = array<i32>} : memref<128xf32, #tpu.memory_space<vmem>>, vector<16xf32>,
    %swap3A_136 = vector.shape_cast %swap3A_135 : vector<16xf32> to vector<16xf32>
    %swap3A_137 = vector.shape_cast %scan3A_133#0 : vector<16xf32> to vector<16xf32>
    tpu.vector_store %arg7[%swap3A], %swap3A_137 {strides = array<i32>} : memref<128xf32, #tpu.memory_space<vmem>>, vector<16xf32>,
    %swap3A_138 = arith.constant 16 : index
    %swap3A_139 = tpu.vector_load %arg7[%swap3A_138] {strides = array<i32>} : memref<128xf32, #tpu.memory_space<vmem>>, vector<16xf32>,
    %swap3A_140 = vector.shape_cast %swap3A_139 : vector<16xf32> to vector<16xf32>
    %swap3A_141 = vector.shape_cast %scan3A_133#1 : vector<16xf32> to vector<16xf32>
    tpu.vector_store %arg7[%swap3A_138], %swap3A_141 {strides = array<i32>} : memref<128xf32, #tpu.memory_space<vmem>>, vector<16xf32>,
    %swap3A_142 = arith.constant 32 : index
    %swap3A_143 = tpu.vector_load %arg7[%swap3A_142] {strides = array<i32>} : memref<128xf32, #tpu.memory_space<vmem>>, vector<16xf32>,
    %swap3A_144 = vector.shape_cast %swap3A_143 : vector<16xf32> to vector<16xf32>
    %swap3A_145 = vector.shape_cast %scan3A_133#2 : vector<16xf32> to vector<16xf32>
    tpu.vector_store %arg7[%swap3A_142], %swap3A_145 {strides = array<i32>} : memref<128xf32, #tpu.memory_space<vmem>>, vector<16xf32>,
    %swap3A_146 = arith.constant 48 : index
    %swap3A_147 = tpu.vector_load %arg7[%swap3A_146] {strides = array<i32>} : memref<128xf32, #tpu.memory_space<vmem>>, vector<16xf32>,
    %swap3A_148 = vector.shape_cast %swap3A_147 : vector<16xf32> to vector<16xf32>
    %swap3A_149 = vector.shape_cast %scan3A_133#3 : vector<16xf32> to vector<16xf32>
    tpu.vector_store %arg7[%swap3A_146], %swap3A_149 {strides = array<i32>} : memref<128xf32, #tpu.memory_space<vmem>>, vector<16xf32>,
    %swap3A_150 = arith.constant 64 : index
    %swap3A_151 = tpu.vector_load %arg7[%swap3A_150] {strides = array<i32>} : memref<128xf32, #tpu.memory_space<vmem>>, vector<16xf32>,
    %swap3A_152 = vector.shape_cast %swap3A_151 : vector<16xf32> to vector<16xf32>
    %swap3A_153 = vector.shape_cast %scan3A_133#4 : vector<16xf32> to vector<16xf32>
    tpu.vector_store %arg7[%swap3A_150], %swap3A_153 {strides = array<i32>} : memref<128xf32, #tpu.memory_space<vmem>>, vector<16xf32>,
    %swap3A_154 = arith.constant 80 : index
    %swap3A_155 = tpu.vector_load %arg7[%swap3A_154] {strides = array<i32>} : memref<128xf32, #tpu.memory_space<vmem>>, vector<16xf32>,
    %swap3A_156 = vector.shape_cast %swap3A_155 : vector<16xf32> to vector<16xf32>
    %swap3A_157 = vector.shape_cast %scan3A_133#5 : vector<16xf32> to vector<16xf32>
    tpu.vector_store %arg7[%swap3A_154], %swap3A_157 {strides = array<i32>} : memref<128xf32, #tpu.memory_space<vmem>>, vector<16xf32>,
    %swap3A_158 = arith.constant 96 : index
    %swap3A_159 = tpu.vector_load %arg7[%swap3A_158] {strides = array<i32>} : memref<128xf32, #tpu.memory_space<vmem>>, vector<16xf32>,
    %swap3A_160 = vector.shape_cast %swap3A_159 : vector<16xf32> to vector<16xf32>
    %swap3A_161 = vector.shape_cast %scan3A_133#6 : vector<16xf32> to vector<16xf32>
    tpu.vector_store %arg7[%swap3A_158], %swap3A_161 {strides = array<i32>} : memref<128xf32, #tpu.memory_space<vmem>>, vector<16xf32>,
    %swap3A_162 = arith.constant 112 : index
    %swap3A_163 = tpu.vector_load %arg7[%swap3A_162] {strides = array<i32>} : memref<128xf32, #tpu.memory_space<vmem>>, vector<16xf32>,
    %swap3A_164 = vector.shape_cast %swap3A_163 : vector<16xf32> to vector<16xf32>
    %swap3A_165 = vector.shape_cast %scan3A_133#7 : vector<16xf32> to vector<16xf32>
    tpu.vector_store %arg7[%swap3A_162], %swap3A_165 {strides = array<i32>} : memref<128xf32, #tpu.memory_space<vmem>>, vector<16xf32>,
    "tpu.region"() ({
      %run_scoped3A = tpu.sem_alloc : memref<!tpu.dma_semaphore, #tpu.memory_space<semaphore_mem>>
      %dma_start3A_166 = arith.constant 0 : i32
      %dma_start3A_167 = tpu.memref_slice %arg4[%add3A, %dma_start3A_166] : memref<32x128xf32, #tpu.memory_space<hbm>> -> memref<1x128xf32, #tpu.memory_space<hbm>>
      %dma_start3A_168 = tpu.memref_squeeze %dma_start3A_167 : memref<1x128xf32, #tpu.memory_space<hbm>> -> memref<128xf32, #tpu.memory_space<hbm>>
      %dma_start3A_169 = arith.constant 0 : i32
      %dma_start3A_170 = tpu.memref_slice %arg4[%add3A, %dma_start3A_169] : memref<32x128xf32, #tpu.memory_space<hbm>> -> memref<1x128xf32, #tpu.memory_space<hbm>>
      %dma_start3A_171 = tpu.memref_squeeze %dma_start3A_170 : memref<1x128xf32, #tpu.memory_space<hbm>> -> memref<128xf32, #tpu.memory_space<hbm>>
      tpu.enqueue_dma source(%arg7 : memref<128xf32, #tpu.memory_space<vmem>>) target(%dma_start3A_171 : memref<128xf32, #tpu.memory_space<hbm>>) target_semaphore(%run_scoped3A : memref<!tpu.dma_semaphore, #tpu.memory_space<semaphore_mem>>)
      %dma_wait3A_172 = arith.constant 0 : i32
      %dma_wait3A_173 = tpu.memref_slice %arg4[%add3A, %dma_wait3A_172] : memref<32x128xf32, #tpu.memory_space<hbm>> -> memref<1x128xf32, #tpu.memory_space<hbm>>
      %dma_wait3A_174 = tpu.memref_squeeze %dma_wait3A_173 : memref<1x128xf32, #tpu.memory_space<hbm>> -> memref<128xf32, #tpu.memory_space<hbm>>
      %dma_wait3A_175 = arith.constant 0 : i32
      %dma_wait3A_176 = tpu.memref_slice %arg4[%add3A, %dma_wait3A_175] : memref<32x128xf32, #tpu.memory_space<hbm>> -> memref<1x128xf32, #tpu.memory_space<hbm>>
      %dma_wait3A_177 = tpu.memref_squeeze %dma_wait3A_176 : memref<1x128xf32, #tpu.memory_space<hbm>> -> memref<128xf32, #tpu.memory_space<hbm>>
      tpu.wait_dma2 semaphore(%run_scoped3A : memref<!tpu.dma_semaphore, #tpu.memory_space<semaphore_mem>>) src(%arg7 : memref<128xf32, #tpu.memory_space<vmem>>) dst(%dma_wait3A_177 : memref<128xf32, #tpu.memory_space<hbm>>)
      tpu.yield
    }) : () -> ()
    return
  }
}

module attributes {stable_mosaic.version = 14 : i64} {
  func.func @body(%arg0: i32, %arg1: memref<32x128xf32, #tpu.memory_space<vmem>>, %arg2: memref<25600x128xf32, #tpu.memory_space<vmem>>, %arg3: memref<1x25600xf32, #tpu.memory_space<vmem>>, %arg4: memref<1x100000xf32, #tpu.memory_space<vmem>>, %arg5: memref<4x1x25600xf32, #tpu.memory_space<vmem>>, %arg6: memref<1xf32, #tpu.memory_space<smem>>, %arg7: memref<1xf32, #tpu.memory_space<smem>>) attributes {dimension_semantics = [#tpu.dimension_semantics<arbitrary>], iteration_bounds = array<i64: 4>, scalar_prefetch = 0 : i64, scratch_operands = 3 : i64, tpu.core_type = #tpu.core_type<tc>, window_params = [{pipeline_mode = #tpu.pipeline_mode<synchronous>, transform_indices = @transform_0, window_bounds = array<i64: 32, 128>}, {transform_indices = @transform_1, window_bounds = array<i64: 25600, 128>}, {transform_indices = @transform_2, window_bounds = array<i64: 1, 25600>}, {pipeline_mode = #tpu.pipeline_mode<synchronous>, transform_indices = @transform_3, window_bounds = array<i64: 1, 100000>}]} {
    %eq3A = arith.constant 0 : i32
    %eq3A_0 = arith.cmpi eq, %arg0, %eq3A : i32
    %convert_element_type3A = arith.extui %eq3A_0 : i1 to i32
    %cond3A = arith.constant 0 : i32
    %cond3A_1 = arith.cmpi ne, %convert_element_type3A, %cond3A : i32
    scf.if %cond3A_1 {
      %swap3A_50 = arith.constant -1.000000e+30 : f32
      %swap3A_51 = arith.constant 0 : index
      %swap3A_52 = memref.load %arg6[%swap3A_51] : memref<1xf32, #tpu.memory_space<smem>>
      memref.store %swap3A_50, %arg6[%swap3A_51] : memref<1xf32, #tpu.memory_space<smem>>
      %swap3A_53 = arith.constant 0.000000e+00 : f32
      %swap3A_54 = arith.constant 0 : index
      %swap3A_55 = memref.load %arg7[%swap3A_54] : memref<1xf32, #tpu.memory_space<smem>>
      memref.store %swap3A_53, %arg7[%swap3A_54] : memref<1xf32, #tpu.memory_space<smem>>
    } else {
    }
    %get3A = arith.constant 0 : index
    %get3A_2 = arith.constant 0 : index
    %get3A_3 = vector.load %arg1[%get3A, %get3A_2] : memref<32x128xf32, #tpu.memory_space<vmem>>, vector<32x128xf32>
    %reduce_sum3A = arith.constant dense<0.000000e+00> : vector<128xf32>
    %reduce_sum3A_4 = vector.multi_reduction <add>, %get3A_3, %reduce_sum3A [0] : vector<32x128xf32> to vector<128xf32>
    %broadcast_in_dim3A = vector.shape_cast %reduce_sum3A_4 : vector<128xf32> to vector<1x128xf32>
    %get3A_5 = arith.constant 0 : index
    %get3A_6 = arith.constant 0 : index
    %get3A_7 = vector.load %arg2[%get3A_5, %get3A_6] : memref<25600x128xf32, #tpu.memory_space<vmem>>, vector<25600x128xf32>
    %dot_general3A = arith.constant dense<0.000000e+00> : vector<1x25600xf32>
    %dot_general3A_8 = tpu.matmul %broadcast_in_dim3A, %get3A_7, %dot_general3A {dimension_numbers = #tpu.dot_dimension_numbers<[1], [1], [0], [0], [0, 0, 1, 0], [], []>, transpose_lhs_hint = false} : vector<1x128xf32>, vector<25600x128xf32>, vector<1x25600xf32> -> vector<1x25600xf32>
    %get3A_9 = arith.constant 0 : index
    %get3A_10 = arith.constant 0 : index
    %get3A_11 = vector.load %arg3[%get3A_9, %get3A_10] : memref<1x25600xf32, #tpu.memory_space<vmem>>, vector<1x25600xf32>
    %add3A = arith.addf %dot_general3A_8, %get3A_11 : vector<1x25600xf32>
    %mul3A = arith.constant 25600 : i32
    %mul3A_12 = arith.muli %arg0, %mul3A : i32
    %iota3A = tpu.iota {dimensions = array<i32: 1>} : vector<1x25600xi32>
    %add3A_13 = vector.broadcast %mul3A_12 : i32 to vector<1x25600xi32>
    %add3A_14 = arith.addi %add3A_13, %iota3A : vector<1x25600xi32>
    %lt3A = arith.constant 100000 : i32
    %lt3A_15 = vector.broadcast %lt3A : i32 to vector<1x25600xi32>
    %lt3A_16 = arith.cmpi slt, %add3A_14, %lt3A_15 : vector<1x25600xi32>
    %jit3A = arith.constant -1.000000e+30 : f32
    %broadcast_in_dim3A_17 = vector.broadcast %jit3A : f32 to vector<1x25600xf32>
    %select_n3A = arith.select %lt3A_16, %add3A, %broadcast_in_dim3A_17 : vector<1x25600xi1>, vector<1x25600xf32>
    %swap3A = arith.index_cast %arg0 : i32 to index
    %swap3A_18 = arith.constant 0 : index
    %swap3A_19 = arith.constant 0 : index
    %swap3A_20 = vector.load %arg5[%swap3A, %swap3A_18, %swap3A_19] : memref<4x1x25600xf32, #tpu.memory_space<vmem>>, vector<1x1x25600xf32>
    %swap3A_21 = vector.shape_cast %swap3A_20 : vector<1x1x25600xf32> to vector<1x25600xf32>
    %swap3A_22 = vector.shape_cast %select_n3A : vector<1x25600xf32> to vector<1x1x25600xf32>
    tpu.vector_store %arg5[%swap3A, %swap3A_18, %swap3A_19], %swap3A_22 {strides = array<i32>} : memref<4x1x25600xf32, #tpu.memory_space<vmem>>, vector<1x1x25600xf32>,
    %get3A_23 = arith.constant 0 : index
    %get3A_24 = memref.load %arg6[%get3A_23] : memref<1xf32, #tpu.memory_space<smem>>
    %get3A_25 = arith.constant 0 : index
    %get3A_26 = memref.load %arg7[%get3A_25] : memref<1xf32, #tpu.memory_space<smem>>
    %reduce_max3A = vector.shape_cast %select_n3A : vector<1x25600xf32> to vector<1x1x25600xf32>
    %reduce_max3A_27 = arith.constant dense<0xFF800000> : vector<1xf32>
    %reduce_max3A_28 = vector.multi_reduction <maximumf>, %reduce_max3A, %reduce_max3A_27 [1, 2] : vector<1x1x25600xf32> to vector<1xf32>
    %reduce_max3A_29 = vector.shape_cast %reduce_max3A_28 : vector<1xf32> to vector<1x1x1xf32>
    %reduce_max3A_30 = vector.extract %reduce_max3A_29[0, 0, 0] : f32 from vector<1x1x1xf32>
    %max3A = arith.maximumf %get3A_24, %reduce_max3A_30 : f32
    %sub3A = arith.subf %get3A_24, %max3A : f32
    %exp3A = math.exp %sub3A : f32
    %mul3A_31 = arith.mulf %get3A_26, %exp3A : f32
    %sub3A_32 = vector.broadcast %max3A : f32 to vector<1x25600xf32>
    %sub3A_33 = arith.subf %select_n3A, %sub3A_32 : vector<1x25600xf32>
    %exp3A_34 = math.exp %sub3A_33 : vector<1x25600xf32>
    %reduce_sum3A_35 = vector.shape_cast %exp3A_34 : vector<1x25600xf32> to vector<1x1x25600xf32>
    %reduce_sum3A_36 = arith.constant dense<0.000000e+00> : vector<1xf32>
    %reduce_sum3A_37 = vector.multi_reduction <add>, %reduce_sum3A_35, %reduce_sum3A_36 [1, 2] : vector<1x1x25600xf32> to vector<1xf32>
    %reduce_sum3A_38 = vector.shape_cast %reduce_sum3A_37 : vector<1xf32> to vector<1x1x1xf32>
    %reduce_sum3A_39 = vector.extract %reduce_sum3A_38[0, 0, 0] : f32 from vector<1x1x1xf32>
    %add3A_40 = arith.addf %mul3A_31, %reduce_sum3A_39 : f32
    %swap3A_41 = arith.constant 0 : index
    %swap3A_42 = memref.load %arg6[%swap3A_41] : memref<1xf32, #tpu.memory_space<smem>>
    memref.store %max3A, %arg6[%swap3A_41] : memref<1xf32, #tpu.memory_space<smem>>
    %swap3A_43 = arith.constant 0 : index
    %swap3A_44 = memref.load %arg7[%swap3A_43] : memref<1xf32, #tpu.memory_space<smem>>
    memref.store %add3A_40, %arg7[%swap3A_43] : memref<1xf32, #tpu.memory_space<smem>>
    %eq3A_45 = arith.constant 3 : i32
    %eq3A_46 = arith.cmpi eq, %arg0, %eq3A_45 : i32
    %convert_element_type3A_47 = arith.extui %eq3A_46 : i1 to i32
    %cond3A_48 = arith.constant 0 : i32
    %cond3A_49 = arith.cmpi ne, %convert_element_type3A_47, %cond3A_48 : i32
    scf.if %cond3A_49 {
      %log3A = math.log %add3A_40 : f32
      %add3A_50 = arith.addf %max3A, %log3A : f32
      %get3A_51 = arith.constant 0 : index
      %get3A_52 = arith.constant 0 : index
      %get3A_53 = arith.constant 0 : index
      %get3A_54 = vector.load %arg5[%get3A_51, %get3A_52, %get3A_53] : memref<4x1x25600xf32, #tpu.memory_space<vmem>>, vector<1x1x25600xf32>
      %get3A_55 = vector.shape_cast %get3A_54 : vector<1x1x25600xf32> to vector<1x25600xf32>
      %sub3A_56 = vector.broadcast %add3A_50 : f32 to vector<1x25600xf32>
      %sub3A_57 = arith.subf %get3A_55, %sub3A_56 : vector<1x25600xf32>
      %swap3A_58 = arith.constant 0 : index
      %swap3A_59 = arith.constant 0 : index
      %swap3A_60 = vector.load %arg4[%swap3A_58, %swap3A_59] : memref<1x100000xf32, #tpu.memory_space<vmem>>, vector<1x25600xf32>
      tpu.vector_store %arg4[%swap3A_58, %swap3A_59], %sub3A_57 {strides = array<i32>} : memref<1x100000xf32, #tpu.memory_space<vmem>>, vector<1x25600xf32>,
      %get3A_61 = arith.constant 1 : index
      %get3A_62 = arith.constant 0 : index
      %get3A_63 = arith.constant 0 : index
      %get3A_64 = vector.load %arg5[%get3A_61, %get3A_62, %get3A_63] : memref<4x1x25600xf32, #tpu.memory_space<vmem>>, vector<1x1x25600xf32>
      %get3A_65 = vector.shape_cast %get3A_64 : vector<1x1x25600xf32> to vector<1x25600xf32>
      %sub3A_66 = vector.broadcast %add3A_50 : f32 to vector<1x25600xf32>
      %sub3A_67 = arith.subf %get3A_65, %sub3A_66 : vector<1x25600xf32>
      %swap3A_68 = arith.constant 0 : index
      %swap3A_69 = arith.constant 25600 : index
      %swap3A_70 = vector.load %arg4[%swap3A_68, %swap3A_69] : memref<1x100000xf32, #tpu.memory_space<vmem>>, vector<1x25600xf32>
      tpu.vector_store %arg4[%swap3A_68, %swap3A_69], %sub3A_67 {strides = array<i32>} : memref<1x100000xf32, #tpu.memory_space<vmem>>, vector<1x25600xf32>,
      %get3A_71 = arith.constant 2 : index
      %get3A_72 = arith.constant 0 : index
      %get3A_73 = arith.constant 0 : index
      %get3A_74 = vector.load %arg5[%get3A_71, %get3A_72, %get3A_73] : memref<4x1x25600xf32, #tpu.memory_space<vmem>>, vector<1x1x25600xf32>
      %get3A_75 = vector.shape_cast %get3A_74 : vector<1x1x25600xf32> to vector<1x25600xf32>
      %sub3A_76 = vector.broadcast %add3A_50 : f32 to vector<1x25600xf32>
      %sub3A_77 = arith.subf %get3A_75, %sub3A_76 : vector<1x25600xf32>
      %swap3A_78 = arith.constant 0 : index
      %swap3A_79 = arith.constant 51200 : index
      %swap3A_80 = vector.load %arg4[%swap3A_78, %swap3A_79] : memref<1x100000xf32, #tpu.memory_space<vmem>>, vector<1x25600xf32>
      tpu.vector_store %arg4[%swap3A_78, %swap3A_79], %sub3A_77 {strides = array<i32>} : memref<1x100000xf32, #tpu.memory_space<vmem>>, vector<1x25600xf32>,
      %get3A_81 = arith.constant 3 : index
      %get3A_82 = arith.constant 0 : index
      %get3A_83 = arith.constant 0 : index
      %get3A_84 = vector.load %arg5[%get3A_81, %get3A_82, %get3A_83] : memref<4x1x25600xf32, #tpu.memory_space<vmem>>, vector<1x1x25600xf32>
      %get3A_85 = vector.shape_cast %get3A_84 : vector<1x1x25600xf32> to vector<1x25600xf32>
      %slice3A = vector.extract_strided_slice %get3A_85 {offsets = [0, 0], sizes = [1, 23200], strides = [1, 1]} : vector<1x25600xf32> to vector<1x23200xf32>
      %sub3A_86 = vector.broadcast %add3A_50 : f32 to vector<1x23200xf32>
      %sub3A_87 = arith.subf %slice3A, %sub3A_86 : vector<1x23200xf32>
      %swap3A_88 = arith.constant 0 : index
      %swap3A_89 = arith.constant 76800 : index
      %swap3A_90 = vector.load %arg4[%swap3A_88, %swap3A_89] : memref<1x100000xf32, #tpu.memory_space<vmem>>, vector<1x23200xf32>
      tpu.vector_store %arg4[%swap3A_88, %swap3A_89], %sub3A_87 {strides = array<i32>} : memref<1x100000xf32, #tpu.memory_space<vmem>>, vector<1x23200xf32>,
    } else {
    }
    return
  }
  func.func @transform_0(%arg0: i32) -> (i32, i32) {
    %c0_i32 = arith.constant 0 : i32
    %c0_i32_0 = arith.constant 0 : i32
    %c0_i32_1 = arith.constant 0 : i32
    return %c0_i32, %c0_i32_0 : i32, i32
  }
  func.func @transform_1(%arg0: i32) -> (i32, i32) {
    %c0_i32 = arith.constant 0 : i32
    %c0_i32_0 = arith.constant 0 : i32
    return %arg0, %c0_i32 : i32, i32
  }
  func.func @transform_2(%arg0: i32) -> (i32, i32) {
    %c0_i32 = arith.constant 0 : i32
    %c0_i32_0 = arith.constant 0 : i32
    return %c0_i32, %arg0 : i32, i32
  }
  func.func @transform_3(%arg0: i32) -> (i32, i32) {
    %c0_i32 = arith.constant 0 : i32
    %c0_i32_0 = arith.constant 0 : i32
    %c0_i32_1 = arith.constant 0 : i32
    return %c0_i32, %c0_i32_0 : i32, i32
  }
}

</mosaic_0001>

<sc_bundles>
// kernel: kernel.4.cloned.1.call-start
scs
__scs_entry_jumppad:
0x0: {  	(pc) =	sbr.rel $0x88, $3  }
0x1: {  	(tag) =	ssettag $0x0;
	lr =	simm.s32 $0x1  }
0x2: {  	[smem:$0x3F9D] =	sst lr;
	_ =	strace $0xD0000000  }
0x3: {  	_ = 	snop  }
0x4: {  	_ = 	snop  }
0x5: {  	_ = 	snop  }
0x6: {  	_ = 	snop  }
0x7: {  	_ = 	snop  }
__scs_overlays_trampoline_lowered:
0x8: {  	[smem:$0x3FAC] =	sst s0  }
0x9: {  	[smem:$0x3FAD] =	sst s1  }
0xa: {  	[smem:$0x3FAE] =	sst s2  }
0xb: {  	[smem:$0x3FAF] =	sst s3  }
0xc: {  	[smem:$0x3FB0] =	sst s4  }
0xd: {  	[smem:$0x3FB1] =	sst s5  }
0xe: {  	[smem:$0x3FB2] =	sst s6  }
0xf: {  	[smem:$0x3FB3] =	sst s7  }
0x10: {  	[smem:$0x3FB4] =	sst s8  }
0x11: {  	[smem:$0x3FB5] =	sst s9;
	s0 =	simm.s32 @!p0 $0x0  }
0x12: {  	s1 =	sld [smem:$0x3F9B];
	s0 =	simm.s32 @p0 $0x1  }
0x13: {  	[smem:$0x3FB6] =	sst s0;
	s0 =	simm.s32 @!p1 $0x0  }
0x14: {  	s2 =	sld [smem:$0x3F9A];
	s0 =	simm.s32 @p1 $0x1  }
0x15: {  	[smem:$0x3FB7] =	sst s0;
	s0 =	simm.s32 @!p2 $0x0  }
0x16: {  	s3 =	sld [smem:$0x3FDB];
	s0 =	simm.s32 @p2 $0x1  }
0x17: {  	s4 =	simm.s32 $0x1BF5;
	[smem:$0x3FB9] =	sst s0  }
0x18: {  	s0 =	sld [smem:$0x3F9C];
	_ =	swait.ge [sflag:s4], $0x0  }
0x19: {  	s7 =	sld [smem:$0x3F9D]  }
0x1a: {  	s8 =	sadd.s32 $0xFFFFE003, lr  }
0x1b: {  	s9 =	sadd.s32 $0xFFFFFEF7, lr;
	s5 =	simm.s32 $0xFFFFFFFF;
	p2 =	slt.u32 s8, $0xFFFFF086  }
0x1c: {  	p1 =	slt.u32 s9, $0xF7A;
	s5 =	simm.s32 @!p2 $0x0  }
0x1d: {  	s5 =	simm.s32 @p1 $0x1;
	p0 =	seq.s32 s7, s2  }
0x1e: {  	s7 =	smul.u32 @!p0 $0xF7A, s2;
	p2 =	seq.s32 @!p0 s5, $0x0  }
0x1f: {  	s9 =	smul.u32 $0xF7A, s1;
	s8 =	simm.s32 @!p0 $0x1BF5;
	p2 =	por !p2, p0  }
0x20: {  	[sflag:s8] =	ssyncset.s32 @!p0 $0xFFFFF086;
	s6 =	sadd.s32 @!p0 s3, s7;
	s7 =	simm.s32 @!p0 $0x108  }
0x21: {  	s3 =	sadd.s32 s3, s9;
	s6 =	sadd.s32 @!p0 $0x88, s6;
	s7 =	simm.s32 @p2 $0x1082  }
0x22: {  	[simem:s7], [sflag:s8] =	dma.local @!p0 [hbm:s6], $0xF7A  }
0x23: {  	s9 =	sor.u32 $0xD0000000, s2;
	s6 =	simm.s32 $0x108;
	_ =	swait.ge @!p0 [sflag:s8], $0x0  }
0x24: {  	s3 =	sadd.s32 $0x88, s3;
	s6 =	simm.s32 @!p1 $0x1082;
	[sflag:s4] =	ssyncset.s32 $0xFFFFF086  }
0x25: {  	[simem:s6], [sflag:s4] =	dma.local [hbm:s3], $0xF7A  }
0x26: {  	[smem:$0x3F9D] =	sst s1;
	(tag) =	ssettag s2;
	_ =	strace s9  }
0x27: {  	s1 =	sld [smem:$0x3FAD]  }
0x28: {  	s2 =	sld [smem:$0x3FAE]  }
0x29: {  	s4 =	sld [smem:$0x3FB0]  }
0x2a: {  	p0 =	seq.s32 s5, $0x0;
	s5 =	sld [smem:$0x3FB1]  }
0x2b: {  	s6 =	sld [smem:$0x3FB2]  }
0x2c: {  	s7 =	sld [smem:$0x3FB3]  }
0x2d: {  	s3 =	simm.s32 $0x108;
	s8 =	sld [smem:$0x3FB4]  }
0x2e: {  	s3 =	simm.s32 @!p0 $0x1082;
	s9 =	sld [smem:$0x3FB5]  }
0x2f: {  	lr =	sadd.s32 s0, s3;
	s0 =	sld [smem:$0x3FAC]  }
0x30: {  	s3 =	sld [smem:$0x3FAF]  }
0x31: {  	[smem:$0x3FB8] =	sst s10  }
0x32: {  	s10 =	sld [smem:$0x3FB6];
	_ =	sdelay $0x3  }
0x33: {  	p0 =	seq.s32 s10, $0x1;
	s10 =	sld [smem:$0x3FB8];
	_ =	sdelay $0x3  }
0x34: {  	[smem:$0x3FB8] =	sst s10  }
0x35: {  	s10 =	sld [smem:$0x3FB7];
	_ =	sdelay $0x3  }
0x36: {  	p1 =	seq.s32 s10, $0x1;
	s10 =	sld [smem:$0x3FB8];
	_ =	sdelay $0x3  }
0x37: {  	[smem:$0x3FB8] =	sst s10  }
0x38: {  	s10 =	sld [smem:$0x3FB9]  }
0x39: {  	_ = 	snop;
	(pc) =	sbr.ind lr, $3  }
0x3a: {  	_ = 	snop  }
0x3b: {  	_ = 	snop  }
0x3c: {  	p2 =	seq.s32 s10, $0x1;
	s10 =	sld [smem:$0x3FB8]  }
0x3d: {  	_ =	shalt  }
0x3e: {  	_ =	shalt  }
0x3f: {  	_ =	shalt  }
0x40: {  	_ =	shalt  }
0x41: {  	_ =	shalt  }
0x42: {  	_ =	shalt  }
0x43: {  	_ =	shalt  }
0x44: {  	_ =	shalt  }
0x45: {  	_ =	shalt  }
0x46: {  	_ =	shalt  }
0x47: {  	_ =	shalt  }
0x48: {  	_ =	shalt  }
0x49: {  	_ =	shalt  }
0x4a: {  	_ =	shalt  }
0x4b: {  	_ =	shalt  }
0x4c: {  	_ =	shalt  }
0x4d: {  	_ =	shalt  }
0x4e: {  	_ =	shalt  }
0x4f: {  	_ =	shalt  }
0x50: {  	_ =	shalt  }
0x51: {  	_ =	shalt  }
0x52: {  	_ =	shalt  }
0x53: {  	_ =	shalt  }
0x54: {  	_ =	shalt  }
0x55: {  	_ =	shalt  }
0x56: {  	_ =	shalt  }
0x57: {  	_ =	shalt  }
0x58: {  	_ =	shalt  }
0x59: {  	_ =	shalt  }
0x5a: {  	_ =	shalt  }
0x5b: {  	_ =	shalt  }
0x5c: {  	_ =	shalt  }
0x5d: {  	_ =	shalt  }
0x5e: {  	_ =	shalt  }
0x5f: {  	_ =	shalt  }
0x60: {  	_ =	shalt  }
0x61: {  	_ =	shalt  }
0x62: {  	_ =	shalt  }
0x63: {  	_ =	shalt  }
0x64: {  	_ =	shalt  }
0x65: {  	_ =	shalt  }
0x66: {  	_ =	shalt  }
0x67: {  	_ =	shalt  }
0x68: {  	_ =	shalt  }
0x69: {  	_ =	shalt  }
0x6a: {  	_ =	shalt  }
0x6b: {  	_ =	shalt  }
0x6c: {  	_ =	shalt  }
0x6d: {  	_ =	shalt  }
0x6e: {  	_ =	shalt  }
0x6f: {  	_ =	shalt  }
0x70: {  	_ =	shalt  }
0x71: {  	_ =	shalt  }
0x72: {  	_ =	shalt  }
0x73: {  	_ =	shalt  }
0x74: {  	_ =	shalt  }
0x75: {  	_ =	shalt  }
0x76: {  	_ =	shalt  }
0x77: {  	_ =	shalt  }
0x78: {  	_ =	shalt  }
0x79: {  	_ =	shalt  }
0x7a: {  	_ =	shalt  }
0x7b: {  	_ =	shalt  }
0x7c: {  	_ =	shalt  }
0x7d: {  	_ =	shalt  }
0x7e: {  	_ =	shalt  }
0x7f: {  	_ =	shalt  }
0x80: {  	_ =	shalt  }
0x81: {  	_ =	shalt  }
0x82: {  	_ =	shalt  }
0x83: {  	_ =	shalt  }
0x84: {  	_ =	shalt  }
0x85: {  	_ =	shalt  }
0x86: {  	_ =	shalt  }
0x87: {  	_ =	shalt  }
.Lfunc_end0:
.L_simem_size_0:
called_computation_lowered:
.L_overlay_start_0:
0x88: {  	s2 =	sld [smem:$0x3FD9]  }
0x89: {  	s3 =	sld [smem:$0x3FFE];
	_ =	sdelay $0x1  }
0x8a: {  	s1 =	srdreg.scid  }
0x8b: {  	s0 =	sand.u32 $0x1, s1  }
0x8c: {  	s18 =	sshll.u32 s0, $0xA;
	s2 =	sadd.s32 s3, s2  }
0x8d: {  	s2 =	sadd.s32 s2, s18  }
0x8e: {  	[smem:$0x3FC4] =	sst s2  }
0x8f: {  	_ = 	snop  }
0x90: {  	s2 =	sld [smem:$0x3FC9]  }
0x91: {  	s19 =	sld [smem:$0x3FC8]  }
0x92: {  	s4 =	sld [smem:$0x3FD0];
	(tm) =	ssettm $0x1  }
0x93: {  	s5 =	sld [smem:$0x3FFB];
	_ =	sdelay $0x3  }
0x94: {  	_ =	strace s5  }
0x95: {  	s5 =	sld [smem:$0x3FFC];
	_ =	sdelay $0x3  }
0x96: {  	_ =	strace s5  }
0x97: {  	s5 =	sld [smem:$0x3FFD];
	_ =	sdelay $0x3  }
0x98: {  	_ =	strace s5  }
0x99: {  	_ =	strace $0x8FFFFFFF  }
0x9a: {  	s20 =	sld [smem:$0x3FDB];
	_ =	sdelay $0x1  }
0x9b: {  	s6 =	simm.s32 $_scs_section_size  }
0x9c: {  	s7 =	simm.s32 $_size__tile_overlayer_lowered;
	s8 =	simm.s32 $_tile_overlayer_lowered  }
0x9d: {  	s23 =	simm.s32 $0x1BFF;
	s22 =	sshll.u32 s8, $0x1;
	s5 =	sadd.s32 s6, s20  }
0x9e: {  	s9 =	simm.s32 $0x0;
	s21 =	sshll.u32 s7, $0x1;
	s7 =	sadd.s32 s22, s5  }
0x9f: {  	[timem:s9], [sflag:s23] =	dma.local [hbm:s7], s21  }
0xa0: {  	_ =	swait.ge [sflag:s23], s21  }
0xa1: {  	s6 =	ssub.s32 $0x0, s21;
	[sflag:s23] =	ssyncset.done $0x0  }
0xa2: {  	[sflag:s23] =	ssyncadd.s32 s6;
	_ =	sdelay $0x1  }
0xa3: {  	s24 =	simm.s32 $0x1B8B  }
0xa4: {  	_ =	swait.ge [sflag:s24], $0x1  }
0xa5: {  	[sflag:s24] =	ssyncset.done $0x0  }
0xa6: {  	s25 =	simm.s32 $0x1B8E;
	[sflag:s24] =	ssyncadd.s32 $0xFFFFFFFF  }
0xa7: {  	s26 =	simm.s32 $execute0_lowered;
	[smem:$0x3FD2] =	sst s25  }
0xa8: {  	s6 =	sshll.u32 s26, $0x1;
	_ =	strace $0x80000046;
	[dreg:$0x1] =	wrdreg $0xFFFFFFFF  }
0xa9: {  	s28 =	simm.s32 $_size_execute0_lowered;
	s5 =	sadd.s32 s5, s6;
	[dreg:$0x0] =	wrdreg $0x0  }
0xaa: {  	s6 =	sshll.u32 s28, $0x1;
	[dreg:$0x2] =	wrdreg s5  }
0xab: {  	[dreg:$0x3] =	wrdreg s6  }
0xac: {  	[dreg:$0x4] =	wrdreg $0xC0  }
0xad: {  	_ =	task [dreg:s9], $0x5FFFF  }
0xae: {  	[dreg:$0x1] =	wrdreg $0xFFFFFFFF  }
0xaf: {  	[dreg:$0x0] =	wrdreg $0x60  }
0xb0: {  	[dreg:$0x2] =	wrdreg s2  }
0xb1: {  	[dreg:$0x3] =	wrdreg s19  }
0xb2: {  	[dreg:$0x4] =	wrdreg s4  }
0xb3: {  	[dreg:$0x5] =	wrdreg $0x9  }
0xb4: {  	_ =	task.clear_ibuf [dreg:s9], $0x6FFFF;
	_ =	strace $0x90000046  }
0xb5: {  	s29 =	simm.s32 $0x9;
	_ =	strace $0x80000048  }
0xb6: {  	_ =	swait.ge [sflag:s29], $0x1  }
0xb7: {  	[sflag:s29] =	ssyncadd.s32 $0xFFFFFFFF  }
0xb8: {  	_ =	strace $0x90000048  }
0xb9: {  	_ =	sfence  }
0xba: {  	s30 =	sld [smem:$0x0];
	_ =	sdelay $0x2  }
0xbb: {  	s31 =	sshll.u32 s1, $0xD;
	s1 =	sshrl.u32 s1, $0x2  }
0xbc: {  	s3 =	sand.u32 $0x4000, s31;
	s1 =	sadd.s32 s1, s30  }
0xbd: {  	s0 =	sor.u32 s3, s0;
	s1 =	sshll.u32 s1, $0x11  }
0xbe: {  	s0 =	sor.u32 s1, s0  }
0xbf: {  	s0 =	sadd.s32 $0x8F2B, s0  }
0xc0: {  	[sflag:s0] =	ssyncadd.remote.s32 $0x1  }
0xc1: {  	_ =	sfence.sel $0xFFFF  }
0xc2: {  	[dreg:$0x0] =	wrdreg $0xFFFFFFFF;
	(pc) =	sbr.abs _section_cstart, $3  }
0xc3: {  	[dreg:$0x1] =	wrdreg $0xFFFFFFFF  }
0xc4: {  	_ =	task.clear_ibuf [dreg:s9], $0x2FFFF;
	_ =	strace $0x9FFFFFFF  }
0xc5: {  	(tm) =	ssettm $0x7FFFFFFF  }
tec
execute0_lowered:
.L_overlay_start_1:
0x0: {  	(tag) =	ssettag $0x1  }
0x1: {  	s4 =	rddreg [dreg:$0x0]  }
0x2: {  	s1 =	rddreg [dreg:$0x1]  }
0x3: {  	s5 =	rddreg [dreg:$0x2]  }
0x4: {  	s3 =	srdreg.scid;
	s0 =	rddreg [dreg:$0x3];
	s2 =	simm.s32 $0x0  }
0x5: {  	s11 =	simm.s32 $0x100;
	s12 =	simm.s32 $0x8200;
	s13 =	simm.s32 $0x180  }
0x6: {  	s14 =	simm.s32 $0xC200;
	s15 =	simm.s32 $0x1;
	s16 =	simm.s32 $0x10200  }
0x7: {  	s17 =	simm.s32 $0x0;
	s6 =	sand.u32 $0x1, s3;
	[smem:$0x7FF] =	sst s2  }
0x8: {  	s3 =	stileid.u32;
	s7 =	ssub.s32 $0x2, s6;
	_ =	strace $0x80000047  }
0x9: {  	s9 =	sshll.u32 s3, $0x7;
	s10 =	sshll.u32 s6, $0x6;
	s6 =	sshll.u32 s6, $0x4  }
0xa: {  	s30 =	sshll.u32 s3, $0x5;
	s8 =	sshrl.u32 s7, $0x1;
	s4 =	sadd.s32 s4, s10  }
0xb: {  	s5 =	sadd.s32 s5, s6;
	s10 =	simm.s32 $0x4200;
	s31 =	ssub.s32 s7, s8  }
0xc: {  	s4 =	sadd.s32 s9, s4;
	s5 =	sadd.s32 s30, s5;
	s7 =	simm.s32 $0x2  }
0xd: {  	s8 =	simm.s32 $0x80;
	s9 =	simm.s32 $0x200;
	s6 =	smax.u32 s31, $0x1  }
.LBB2_1:
0xe: {  	[tilespmem:s2], [sflag:$0x2] =	stream.linear.gather [hbm4b:s4+s2], $0x200, $0x38;
	[tilespmem:$0x10280] =	vst v63  }
0xf: {  	_ =	swait.ge [sflag:s7], $0x200  }
0x10: {  	[sflag:s7] =	ssyncset.done $0x0  }
0x11: {  	[sflag:s7] =	ssyncadd.s32 $0xFFFFFE00  }
0x12: {  	[tilespmem:s9], [sflag:$0x1] =	stream.indirect.gather [hbm4b:s1+s8], $0x80, s2, s8, $0xb8;
	[tilespmem:$0x10280] =	vst v63  }
0x13: {  	_ = 	snop  }
0x14: {  	[tilespmem:s10], [sflag:$0x1] =	stream.indirect.gather [hbm4b:s1+s8], $0x80, s8, s8, $0xb8;
	[tilespmem:$0x10280] =	vst v63  }
0x15: {  	_ = 	snop  }
0x16: {  	[tilespmem:s12], [sflag:$0x1] =	stream.indirect.gather [hbm4b:s1+s8], $0x80, s11, s8, $0xb8;
	[tilespmem:$0x10280] =	vst v63  }
0x17: {  	_ = 	snop  }
0x18: {  	[tilespmem:s14], [sflag:$0x1] =	stream.indirect.gather [hbm4b:s1+s8], $0x80, s13, s8, $0xb8;
	[tilespmem:$0x10280] =	vst v63  }
0x19: {  	_ =	swait.ge [sflag:s15], $0x4000  }
0x1a: {  	[sflag:s15] =	ssyncset.done $0x0  }
0x1b: {  	s19 =	simm.s32 $0x300;
	[sflag:s15] =	ssyncadd.s32 $0xFFFFC000  }
0x1c: {  	v0 =	vld [tilespmem:s19+$0x80]  }
0x1d: {  	v2 =	vld [tilespmem:s19+$0x90]  }
0x1e: {  	v4 =	vld [tilespmem:s19+$0xA0]  }
0x1f: {  	v6 =	vld [tilespmem:s19+$0xB0]  }
0x20: {  	v1 =	vld [tilespmem:s19+$0xC0]  }
0x21: {  	v3 =	vld [tilespmem:s19+$0xD0]  }
0x22: {  	v8 =	vld [tilespmem:s19+$0x0]  }
0x23: {  	v9 =	vld [tilespmem:s19+$0x10]  }
0x24: {  	v10 =	vld [tilespmem:s19+$0x20]  }
0x25: {  	v11 =	vld [tilespmem:s19+$0x30]  }
0x26: {  	v5 =	vld [tilespmem:s19+$0x40]  }
0x27: {  	v7 =	vld [tilespmem:s19+$0x50]  }
0x28: {  	v12 =	vld [tilespmem:s19+$0xFFFFFF80]  }
0x29: {  	v13 =	vld [tilespmem:s19+$0xFFFFFF90]  }
0x2a: {  	v14 =	vld [tilespmem:s19+$0xFFFFFF00]  }
0x2b: {  	v15 =	vld [tilespmem:s19+$0xFFFFFF10]  }
0x2c: {  	v16 =	vld [tilespmem:s19+$0xFFFFFF20]  }
0x2d: {  	v17 =	vld [tilespmem:s19+$0xFFFFFF30]  }
0x2e: {  	v18 =	vld [tilespmem:s19+$0xFFFFFFA0]  }
0x2f: {  	v19 =	vld [tilespmem:s19+$0xFFFFFFB0]  }
0x30: {  	v20 =	vimm.f32 $0.0e+00;
	v21 =	vld [tilespmem:s19+$0xFFFFFFC0]  }
0x31: {  	v22 =	vld [tilespmem:s19+$0xFFFFFFD0];
	v14 =	vadd.f32 v14, v20;
	v15 =	vadd.f32 v15, v20  }
0x32: {  	v23 =	vld [tilespmem:s19+$0xFFFFFF40];
	v16 =	vadd.f32 v16, v20;
	v17 =	vadd.f32 v17, v20  }
0x33: {  	v24 =	vld [tilespmem:s19+$0xFFFFFF50];
	v12 =	vadd.f32 v12, v14;
	v13 =	vadd.f32 v13, v15  }
0x34: {  	v14 =	vld [tilespmem:s19+$0xFFFFFF60];
	v15 =	vadd.f32 v18, v16;
	v16 =	vadd.f32 v19, v17  }
0x35: {  	v17 =	vld [tilespmem:s19+$0xFFFFFF70];
	v8 =	vadd.f32 v8, v12;
	v9 =	vadd.f32 v9, v13  }
0x36: {  	v12 =	vld [tilespmem:s19+$0xFFFFFFE0];
	v10 =	vadd.f32 v10, v15;
	v11 =	vadd.f32 v11, v16  }
0x37: {  	v15 =	vld [tilespmem:s19+$0xFFFFFFF0];
	v8 =	vadd.f32 v0, v8;
	v9 =	vadd.f32 v2, v9  }
0x38: {  	v13 =	vld [tilespmem:s19+$0x60];
	v10 =	vadd.f32 v4, v10;
	v11 =	vadd.f32 v6, v11  }
0x39: {  	v16 =	vld [tilespmem:s19+$0x70];
	v0 =	vadd.f32 v23, v20;
	v2 =	vadd.f32 v24, v20  }
0x3a: {  	v18 =	vadd.f32 v14, v20;
	v19 =	vadd.f32 v17, v20;
	v14 =	vld [tilespmem:s19+$0xE0]  }
0x3b: {  	s18 =	simm.s32 $0x0;
	v17 =	vld [tilespmem:s19+$0xF0];
	s19 =	simm.s32 $0x500;
	v20 =	vadd.f32 v21, v0;
	v21 =	vadd.f32 v22, v2  }
.LBB2_2:
0x3c: {  	v0 =	vld [tilespmem:s19+$0x80];
	v2 =	vadd.f32 v12, v18;
	v4 =	vadd.f32 v15, v19  }
0x3d: {  	v6 =	vld [tilespmem:s19+$0x90];
	v5 =	vadd.f32 v5, v20;
	v7 =	vadd.f32 v7, v21  }
0x3e: {  	v18 =	vld [tilespmem:s19+$0xA0];
	v2 =	vadd.f32 v13, v2;
	v4 =	vadd.f32 v16, v4  }
0x3f: {  	v16 =	vld [tilespmem:s19+$0xB0];
	v19 =	vadd.f32 v1, v5;
	v20 =	vadd.f32 v3, v7  }
0x40: {  	v1 =	vld [tilespmem:s19+$0xC0];
	v2 =	vadd.f32 v14, v2;
	v4 =	vadd.f32 v17, v4  }
0x41: {  	v3 =	vld [tilespmem:s19+$0xD0]  }
0x42: {  	v12 =	vld [tilespmem:s19+$0x0]  }
0x43: {  	v13 =	vld [tilespmem:s19+$0x10]  }
0x44: {  	v14 =	vld [tilespmem:s19+$0x20]  }
0x45: {  	v15 =	vld [tilespmem:s19+$0x30]  }
0x46: {  	v5 =	vld [tilespmem:s19+$0x40]  }
0x47: {  	v7 =	vld [tilespmem:s19+$0x50]  }
0x48: {  	v17 =	vld [tilespmem:s19+$0xFFFFFF80]  }
0x49: {  	v21 =	vld [tilespmem:s19+$0xFFFFFF90]  }
0x4a: {  	v22 =	vld [tilespmem:s19+$0xFFFFFF00]  }
0x4b: {  	v23 =	vld [tilespmem:s19+$0xFFFFFF10]  }
0x4c: {  	v24 =	vld [tilespmem:s19+$0xFFFFFF20]  }
0x4d: {  	v25 =	vld [tilespmem:s19+$0xFFFFFF30]  }
0x4e: {  	v26 =	vld [tilespmem:s19+$0xFFFFFFA0]  }
0x4f: {  	v27 =	vld [tilespmem:s19+$0xFFFFFFB0]  }
0x50: {  	v28 =	vld [tilespmem:s19+$0xFFFFFFC0]  }
0x51: {  	v8 =	vadd.f32 v22, v8;
	v9 =	vadd.f32 v23, v9;
	v22 =	vld [tilespmem:s19+$0xFFFFFFD0]  }
0x52: {  	v10 =	vadd.f32 v24, v10;
	v11 =	vadd.f32 v25, v11;
	v23 =	vld [tilespmem:s19+$0xFFFFFF40]  }
0x53: {  	v8 =	vadd.f32 v17, v8;
	v9 =	vadd.f32 v21, v9;
	v24 =	vld [tilespmem:s19+$0xFFFFFF50]  }
0x54: {  	v10 =	vadd.f32 v26, v10;
	v17 =	vld [tilespmem:s19+$0xFFFFFF60];
	v11 =	vadd.f32 v27, v11  }
0x55: {  	s18 =	sadd.s32 $0x4, s18;
	v8 =	vadd.f32 v12, v8;
	v9 =	vadd.f32 v13, v9;
	v21 =	vld [tilespmem:s19+$0xFFFFFF70]  }
0x56: {  	p0 =	slt.u32 s18, $0x7C;
	v10 =	vadd.f32 v14, v10;
	v12 =	vld [tilespmem:s19+$0xFFFFFFE0];
	v11 =	vadd.f32 v15, v11  }
.Ltmp0:
0x57: {  	v8 =	vadd.f32 v0, v8;
	v9 =	vadd.f32 v6, v9;
	v15 =	vld [tilespmem:s19+$0xFFFFFFF0];
	(pc) =	sbr.rel @p0 .LBB2_2-.Ltmp0, $4  }
0x58: {  	v10 =	vadd.f32 v18, v10;
	v13 =	vld [tilespmem:s19+$0x60];
	v11 =	vadd.f32 v16, v11  }
0x59: {  	v0 =	vadd.f32 v23, v19;
	v6 =	vadd.f32 v24, v20;
	v16 =	vld [tilespmem:s19+$0x70]  }
0x5a: {  	v18 =	vadd.f32 v17, v2;
	v19 =	vadd.f32 v21, v4;
	v14 =	vld [tilespmem:s19+$0xE0]  }
0x5b: {  	v20 =	vadd.f32 v28, v0;
	v21 =	vadd.f32 v22, v6;
	v17 =	vld [tilespmem:s19+$0xF0];
	s19 =	sadd.s32 $0x200, s19  }
0x5c: {  	_ =	swait.ge [sflag:s15], $0x4000  }
0x5d: {  	[sflag:s15] =	ssyncset.done $0x0  }
0x5e: {  	s19 =	simm.s32 $0x4200;
	[sflag:s15] =	ssyncadd.s32 $0xFFFFC000  }
0x5f: {  	v22 =	vld [tilespmem:s19+$0x180]  }
0x60: {  	v23 =	vld [tilespmem:s19+$0x190]  }
0x61: {  	v24 =	vld [tilespmem:s19+$0x1A0]  }
0x62: {  	v25 =	vld [tilespmem:s19+$0x1B0]  }
0x63: {  	v0 =	vld [tilespmem:s19+$0x1C0]  }
0x64: {  	v2 =	vld [tilespmem:s19+$0x1D0]  }
0x65: {  	v26 =	vld [tilespmem:s19+$0x100]  }
0x66: {  	v27 =	vld [tilespmem:s19+$0x110]  }
0x67: {  	v28 =	vld [tilespmem:s19+$0x120]  }
0x68: {  	v29 =	vld [tilespmem:s19+$0x130]  }
0x69: {  	v4 =	vld [tilespmem:s19+$0x140]  }
0x6a: {  	v6 =	vld [tilespmem:s19+$0x150]  }
0x6b: {  	v30 =	vld [tilespmem:s19+$0x80]  }
0x6c: {  	v31 =	vld [tilespmem:s19+$0x90]  }
0x6d: {  	v32 =	vld [tilespmem:s19+$0x0]  }
0x6e: {  	v33 =	vld [tilespmem:s19+$0x10]  }
0x6f: {  	v12 =	vadd.f32 v12, v18;
	v15 =	vadd.f32 v15, v19;
	v18 =	vld [tilespmem:s19+$0x20]  }
0x70: {  	v5 =	vadd.f32 v5, v20;
	v7 =	vadd.f32 v7, v21;
	v19 =	vld [tilespmem:s19+$0x30]  }
0x71: {  	v12 =	vadd.f32 v13, v12;
	v13 =	vadd.f32 v16, v15;
	v16 =	vld [tilespmem:s19+$0x40]  }
0x72: {  	v15 =	vld [tilespmem:s19+$0xA0];
	v1 =	vadd.f32 v1, v5;
	v3 =	vadd.f32 v3, v7  }
0x73: {  	v5 =	vld [tilespmem:s19+$0xB0];
	v7 =	vadd.f32 v14, v12;
	v14 =	vadd.f32 v17, v13  }
0x74: {  	v20 =	vld [tilespmem:s19+$0x70];
	v8 =	vadd.f32 v32, v8;
	v9 =	vadd.f32 v33, v9  }
0x75: {  	v10 =	vadd.f32 v18, v10;
	v11 =	vadd.f32 v19, v11;
	v18 =	vld [tilespmem:s19+$0x50]  }
0x76: {  	v19 =	vld [tilespmem:s19+$0x60];
	v1 =	vadd.f32 v16, v1;
	v8 =	vadd.f32 v30, v8  }
0x77: {  	v17 =	vld [tilespmem:s19+$0xC0];
	v9 =	vadd.f32 v31, v9;
	v10 =	vadd.f32 v15, v10  }
0x78: {  	v21 =	vld [tilespmem:s19+$0xD0];
	v5 =	vadd.f32 v5, v11;
	v8 =	vadd.f32 v26, v8  }
0x79: {  	v12 =	vld [tilespmem:s19+$0xE0];
	v9 =	vadd.f32 v27, v9;
	v10 =	vadd.f32 v28, v10  }
0x7a: {  	v15 =	vld [tilespmem:s19+$0xF0];
	v5 =	vadd.f32 v29, v5;
	v3 =	vadd.f32 v18, v3  }
0x7b: {  	v13 =	vld [tilespmem:s19+$0x160];
	v18 =	vadd.f32 v19, v7;
	v19 =	vadd.f32 v20, v14  }
0x7c: {  	v16 =	vld [tilespmem:s19+$0x170];
	v20 =	vadd.f32 v17, v1;
	v8 =	vadd.f32 v22, v8  }
0x7d: {  	v14 =	vld [tilespmem:s19+$0x1E0];
	v9 =	vadd.f32 v23, v9;
	v10 =	vadd.f32 v24, v10  }
0x7e: {  	s18 =	simm.s32 $0x0;
	v17 =	vld [tilespmem:s19+$0x1F0];
	s19 =	simm.s32 $0x4400;
	v11 =	vadd.f32 v25, v5;
	v21 =	vadd.f32 v21, v3  }
.LBB2_4:
0x7f: {  	v1 =	vld [tilespmem:s19+$0x180];
	v3 =	vadd.f32 v12, v18;
	v5 =	vadd.f32 v15, v19  }
0x80: {  	v7 =	vld [tilespmem:s19+$0x190];
	v4 =	vadd.f32 v4, v20;
	v6 =	vadd.f32 v6, v21  }
0x81: {  	v18 =	vld [tilespmem:s19+$0x1A0];
	v3 =	vadd.f32 v13, v3;
	v5 =	vadd.f32 v16, v5  }
0x82: {  	v16 =	vld [tilespmem:s19+$0x1B0];
	v19 =	vadd.f32 v0, v4;
	v20 =	vadd.f32 v2, v6  }
0x83: {  	v0 =	vld [tilespmem:s19+$0x1C0];
	v3 =	vadd.f32 v14, v3;
	v5 =	vadd.f32 v17, v5  }
0x84: {  	v2 =	vld [tilespmem:s19+$0x1D0]  }
0x85: {  	v12 =	vld [tilespmem:s19+$0x100]  }
0x86: {  	v13 =	vld [tilespmem:s19+$0x110]  }
0x87: {  	v14 =	vld [tilespmem:s19+$0x120]  }
0x88: {  	v15 =	vld [tilespmem:s19+$0x130]  }
0x89: {  	v4 =	vld [tilespmem:s19+$0x140]  }
0x8a: {  	v6 =	vld [tilespmem:s19+$0x150]  }
0x8b: {  	v17 =	vld [tilespmem:s19+$0x80]  }
0x8c: {  	v21 =	vld [tilespmem:s19+$0x90]  }
0x8d: {  	v22 =	vld [tilespmem:s19+$0x0]  }
0x8e: {  	v23 =	vld [tilespmem:s19+$0x10]  }
0x8f: {  	v24 =	vld [tilespmem:s19+$0x20]  }
0x90: {  	v25 =	vld [tilespmem:s19+$0x30]  }
0x91: {  	v26 =	vld [tilespmem:s19+$0xA0]  }
0x92: {  	v27 =	vld [tilespmem:s19+$0xB0]  }
0x93: {  	v28 =	vld [tilespmem:s19+$0xC0]  }
0x94: {  	v8 =	vadd.f32 v22, v8;
	v9 =	vadd.f32 v23, v9;
	v22 =	vld [tilespmem:s19+$0xD0]  }
0x95: {  	v10 =	vadd.f32 v24, v10;
	v11 =	vadd.f32 v25, v11;
	v23 =	vld [tilespmem:s19+$0x40]  }
0x96: {  	v8 =	vadd.f32 v17, v8;
	v9 =	vadd.f32 v21, v9;
	v24 =	vld [tilespmem:s19+$0x50]  }
0x97: {  	v10 =	vadd.f32 v26, v10;
	v17 =	vld [tilespmem:s19+$0x60];
	v11 =	vadd.f32 v27, v11  }
0x98: {  	s18 =	sadd.s32 $0x4, s18;
	v8 =	vadd.f32 v12, v8;
	v9 =	vadd.f32 v13, v9;
	v21 =	vld [tilespmem:s19+$0x70]  }
0x99: {  	p0 =	slt.u32 s18, $0x7C;
	v10 =	vadd.f32 v14, v10;
	v12 =	vld [tilespmem:s19+$0xE0];
	v11 =	vadd.f32 v15, v11  }
.Ltmp1:
0x9a: {  	v8 =	vadd.f32 v1, v8;
	v9 =	vadd.f32 v7, v9;
	v15 =	vld [tilespmem:s19+$0xF0];
	(pc) =	sbr.rel @p0 .LBB2_4-.Ltmp1, $4  }
0x9b: {  	v10 =	vadd.f32 v18, v10;
	v13 =	vld [tilespmem:s19+$0x160];
	v11 =	vadd.f32 v16, v11  }
0x9c: {  	v1 =	vadd.f32 v23, v19;
	v7 =	vadd.f32 v24, v20;
	v16 =	vld [tilespmem:s19+$0x170]  }
0x9d: {  	v18 =	vadd.f32 v17, v3;
	v19 =	vadd.f32 v21, v5;
	v14 =	vld [tilespmem:s19+$0x1E0]  }
0x9e: {  	v20 =	vadd.f32 v28, v1;
	v21 =	vadd.f32 v22, v7;
	v17 =	vld [tilespmem:s19+$0x1F0];
	s19 =	sadd.s32 $0x200, s19  }
0x9f: {  	_ =	swait.ge [sflag:s15], $0x4000  }
0xa0: {  	[sflag:s15] =	ssyncset.done $0x0  }
0xa1: {  	s19 =	simm.s32 $0x8200;
	[sflag:s15] =	ssyncadd.s32 $0xFFFFC000  }
0xa2: {  	v22 =	vld [tilespmem:s19+$0x180]  }
0xa3: {  	v23 =	vld [tilespmem:s19+$0x190]  }
0xa4: {  	v24 =	vld [tilespmem:s19+$0x1A0]  }
0xa5: {  	v25 =	vld [tilespmem:s19+$0x1B0]  }
0xa6: {  	v1 =	vld [tilespmem:s19+$0x1C0]  }
0xa7: {  	v3 =	vld [tilespmem:s19+$0x1D0]  }
0xa8: {  	v26 =	vld [tilespmem:s19+$0x100]  }
0xa9: {  	v27 =	vld [tilespmem:s19+$0x110]  }
0xaa: {  	v28 =	vld [tilespmem:s19+$0x120]  }
0xab: {  	v29 =	vld [tilespmem:s19+$0x130]  }
0xac: {  	v5 =	vld [tilespmem:s19+$0x140]  }
0xad: {  	v7 =	vld [tilespmem:s19+$0x150]  }
0xae: {  	v30 =	vld [tilespmem:s19+$0x80]  }
0xaf: {  	v31 =	vld [tilespmem:s19+$0x90]  }
0xb0: {  	v32 =	vld [tilespmem:s19+$0x0]  }
0xb1: {  	v33 =	vld [tilespmem:s19+$0x10]  }
0xb2: {  	v12 =	vadd.f32 v12, v18;
	v15 =	vadd.f32 v15, v19;
	v18 =	vld [tilespmem:s19+$0x20]  }
0xb3: {  	v4 =	vadd.f32 v4, v20;
	v6 =	vadd.f32 v6, v21;
	v19 =	vld [tilespmem:s19+$0x30]  }
0xb4: {  	v12 =	vadd.f32 v13, v12;
	v13 =	vadd.f32 v16, v15;
	v16 =	vld [tilespmem:s19+$0x40]  }
0xb5: {  	v15 =	vld [tilespmem:s19+$0xA0];
	v0 =	vadd.f32 v0, v4;
	v2 =	vadd.f32 v2, v6  }
0xb6: {  	v4 =	vld [tilespmem:s19+$0xB0];
	v6 =	vadd.f32 v14, v12;
	v14 =	vadd.f32 v17, v13  }
0xb7: {  	v20 =	vld [tilespmem:s19+$0x70];
	v8 =	vadd.f32 v32, v8;
	v9 =	vadd.f32 v33, v9  }
0xb8: {  	v10 =	vadd.f32 v18, v10;
	v11 =	vadd.f32 v19, v11;
	v18 =	vld [tilespmem:s19+$0x50]  }
0xb9: {  	v19 =	vld [tilespmem:s19+$0x60];
	v0 =	vadd.f32 v16, v0;
	v8 =	vadd.f32 v30, v8  }
0xba: {  	v17 =	vld [tilespmem:s19+$0xC0];
	v9 =	vadd.f32 v31, v9;
	v10 =	vadd.f32 v15, v10  }
0xbb: {  	v21 =	vld [tilespmem:s19+$0xD0];
	v4 =	vadd.f32 v4, v11;
	v8 =	vadd.f32 v26, v8  }
0xbc: {  	v12 =	vld [tilespmem:s19+$0xE0];
	v9 =	vadd.f32 v27, v9;
	v10 =	vadd.f32 v28, v10  }
0xbd: {  	v15 =	vld [tilespmem:s19+$0xF0];
	v4 =	vadd.f32 v29, v4;
	v2 =	vadd.f32 v18, v2  }
0xbe: {  	v13 =	vld [tilespmem:s19+$0x160];
	v18 =	vadd.f32 v19, v6;
	v19 =	vadd.f32 v20, v14  }
0xbf: {  	v16 =	vld [tilespmem:s19+$0x170];
	v20 =	vadd.f32 v17, v0;
	v8 =	vadd.f32 v22, v8  }
0xc0: {  	v14 =	vld [tilespmem:s19+$0x1E0];
	v9 =	vadd.f32 v23, v9;
	v10 =	vadd.f32 v24, v10  }
0xc1: {  	s18 =	simm.s32 $0x0;
	v17 =	vld [tilespmem:s19+$0x1F0];
	s19 =	simm.s32 $0x8400;
	v11 =	vadd.f32 v25, v4;
	v21 =	vadd.f32 v21, v2  }
.LBB2_6:
0xc2: {  	v0 =	vld [tilespmem:s19+$0x180];
	v2 =	vadd.f32 v12, v18;
	v4 =	vadd.f32 v15, v19  }
0xc3: {  	v6 =	vld [tilespmem:s19+$0x190];
	v5 =	vadd.f32 v5, v20;
	v7 =	vadd.f32 v7, v21  }
0xc4: {  	v18 =	vld [tilespmem:s19+$0x1A0];
	v2 =	vadd.f32 v13, v2;
	v4 =	vadd.f32 v16, v4  }
0xc5: {  	v16 =	vld [tilespmem:s19+$0x1B0];
	v19 =	vadd.f32 v1, v5;
	v20 =	vadd.f32 v3, v7  }
0xc6: {  	v1 =	vld [tilespmem:s19+$0x1C0];
	v2 =	vadd.f32 v14, v2;
	v4 =	vadd.f32 v17, v4  }
0xc7: {  	v3 =	vld [tilespmem:s19+$0x1D0]  }
0xc8: {  	v12 =	vld [tilespmem:s19+$0x100]  }
0xc9: {  	v13 =	vld [tilespmem:s19+$0x110]  }
0xca: {  	v14 =	vld [tilespmem:s19+$0x120]  }
0xcb: {  	v15 =	vld [tilespmem:s19+$0x130]  }
0xcc: {  	v5 =	vld [tilespmem:s19+$0x140]  }
0xcd: {  	v7 =	vld [tilespmem:s19+$0x150]  }
0xce: {  	v17 =	vld [tilespmem:s19+$0x80]  }
0xcf: {  	v21 =	vld [tilespmem:s19+$0x90]  }
0xd0: {  	v22 =	vld [tilespmem:s19+$0x0]  }
0xd1: {  	v23 =	vld [tilespmem:s19+$0x10]  }
0xd2: {  	v24 =	vld [tilespmem:s19+$0x20]  }
0xd3: {  	v25 =	vld [tilespmem:s19+$0x30]  }
0xd4: {  	v26 =	vld [tilespmem:s19+$0xA0]  }
0xd5: {  	v27 =	vld [tilespmem:s19+$0xB0]  }
0xd6: {  	v28 =	vld [tilespmem:s19+$0xC0]  }
0xd7: {  	v8 =	vadd.f32 v22, v8;
	v9 =	vadd.f32 v23, v9;
	v22 =	vld [tilespmem:s19+$0xD0]  }
0xd8: {  	v10 =	vadd.f32 v24, v10;
	v11 =	vadd.f32 v25, v11;
	v23 =	vld [tilespmem:s19+$0x40]  }
0xd9: {  	v8 =	vadd.f32 v17, v8;
	v9 =	vadd.f32 v21, v9;
	v24 =	vld [tilespmem:s19+$0x50]  }
0xda: {  	v10 =	vadd.f32 v26, v10;
	v17 =	vld [tilespmem:s19+$0x60];
	v11 =	vadd.f32 v27, v11  }
0xdb: {  	s18 =	sadd.s32 $0x4, s18;
	v8 =	vadd.f32 v12, v8;
	v9 =	vadd.f32 v13, v9;
	v21 =	vld [tilespmem:s19+$0x70]  }
0xdc: {  	p0 =	slt.u32 s18, $0x7C;
	v10 =	vadd.f32 v14, v10;
	v12 =	vld [tilespmem:s19+$0xE0];
	v11 =	vadd.f32 v15, v11  }
.Ltmp2:
0xdd: {  	v8 =	vadd.f32 v0, v8;
	v9 =	vadd.f32 v6, v9;
	v15 =	vld [tilespmem:s19+$0xF0];
	(pc) =	sbr.rel @p0 .LBB2_6-.Ltmp2, $4  }
0xde: {  	v10 =	vadd.f32 v18, v10;
	v13 =	vld [tilespmem:s19+$0x160];
	v11 =	vadd.f32 v16, v11  }
0xdf: {  	v0 =	vadd.f32 v23, v19;
	v6 =	vadd.f32 v24, v20;
	v16 =	vld [tilespmem:s19+$0x170]  }
0xe0: {  	v18 =	vadd.f32 v17, v2;
	v19 =	vadd.f32 v21, v4;
	v14 =	vld [tilespmem:s19+$0x1E0]  }
0xe1: {  	v20 =	vadd.f32 v28, v0;
	v21 =	vadd.f32 v22, v6;
	v17 =	vld [tilespmem:s19+$0x1F0];
	s19 =	sadd.s32 $0x200, s19  }
0xe2: {  	_ =	swait.ge [sflag:s15], $0x4000  }
0xe3: {  	[sflag:s15] =	ssyncset.done $0x0  }
0xe4: {  	s19 =	simm.s32 $0xC200;
	[sflag:s15] =	ssyncadd.s32 $0xFFFFC000  }
0xe5: {  	v22 =	vld [tilespmem:s19+$0x180]  }
0xe6: {  	v23 =	vld [tilespmem:s19+$0x190]  }
0xe7: {  	v24 =	vld [tilespmem:s19+$0x1A0]  }
0xe8: {  	v25 =	vld [tilespmem:s19+$0x1B0]  }
0xe9: {  	v0 =	vld [tilespmem:s19+$0x1C0]  }
0xea: {  	v2 =	vld [tilespmem:s19+$0x1D0]  }
0xeb: {  	v26 =	vld [tilespmem:s19+$0x100]  }
0xec: {  	v27 =	vld [tilespmem:s19+$0x110]  }
0xed: {  	v28 =	vld [tilespmem:s19+$0x120]  }
0xee: {  	v29 =	vld [tilespmem:s19+$0x130]  }
0xef: {  	v6 =	vld [tilespmem:s19+$0x140]  }
0xf0: {  	v4 =	vld [tilespmem:s19+$0x150]  }
0xf1: {  	v30 =	vld [tilespmem:s19+$0x80]  }
0xf2: {  	v31 =	vld [tilespmem:s19+$0x90]  }
0xf3: {  	v12 =	vadd.f32 v12, v18;
	v32 =	vld [tilespmem:s19+$0x0]  }
0xf4: {  	v33 =	vld [tilespmem:s19+$0x10]  }
0xf5: {  	v15 =	vadd.f32 v15, v19;
	v12 =	vadd.f32 v13, v12;
	v18 =	vld [tilespmem:s19+$0x20]  }
0xf6: {  	v5 =	vadd.f32 v5, v20;
	v7 =	vadd.f32 v7, v21;
	v19 =	vld [tilespmem:s19+$0x30]  }
0xf7: {  	v13 =	vadd.f32 v16, v15;
	v14 =	vadd.f32 v14, v12;
	v12 =	vld [tilespmem:s19+$0x50]  }
0xf8: {  	v15 =	vld [tilespmem:s19+$0xA0];
	v16 =	vadd.f32 v1, v5  }
0xf9: {  	v62 =	vadd.f32 v3, v7;
	v1 =	vld [tilespmem:s19+$0xB0];
	v13 =	vadd.f32 v17, v13  }
0xfa: {  	v63 =	vld [tilespmem:s19+$0xD0];
	v3 =	vadd.f32 v32, v8;
	v5 =	vadd.f32 v33, v9  }
0xfb: {  	v7 =	vadd.f32 v18, v10;
	v8 =	vadd.f32 v19, v11;
	v11 =	vld [tilespmem:s19+$0x40]  }
0xfc: {  	v17 =	vld [tilespmem:s19+$0xC0];
	v20 =	vadd.f32 v12, v62;
	v3 =	vadd.f32 v30, v3  }
0xfd: {  	v18 =	vld [tilespmem:s19+$0x60];
	v5 =	vadd.f32 v31, v5;
	v7 =	vadd.f32 v15, v7  }
0xfe: {  	v19 =	vld [tilespmem:s19+$0x70];
	v1 =	vadd.f32 v1, v8;
	v3 =	vadd.f32 v26, v3  }
0xff: {  	v10 =	vld [tilespmem:s19+$0xF0];
	v5 =	vadd.f32 v27, v5;
	v15 =	vadd.f32 v28, v7  }
0x100: {  	v8 =	vld [tilespmem:s19+$0xE0];
	v1 =	vadd.f32 v29, v1;
	v16 =	vadd.f32 v11, v16  }
0x101: {  	v9 =	vld [tilespmem:s19+$0x160];
	v7 =	vadd.f32 v22, v3;
	v5 =	vadd.f32 v23, v5  }
0x102: {  	v12 =	vld [tilespmem:s19+$0x170];
	v3 =	vadd.f32 v24, v15;
	v1 =	vadd.f32 v25, v1  }
0x103: {  	v11 =	vld [tilespmem:s19+$0x1E0];
	v15 =	vadd.f32 v18, v14;
	v14 =	vadd.f32 v19, v13  }
0x104: {  	s18 =	simm.s32 $0x0;
	v13 =	vld [tilespmem:s19+$0x1F0];
	s19 =	simm.s32 $0xC400;
	v17 =	vadd.f32 v17, v16;
	v16 =	vadd.f32 v63, v20  }
.LBB2_8:
0x105: {  	v18 =	vld [tilespmem:s19+$0x180];
	v8 =	vadd.f32 v8, v15;
	v10 =	vadd.f32 v10, v14  }
0x106: {  	v14 =	vld [tilespmem:s19+$0x190];
	v6 =	vadd.f32 v6, v17;
	v4 =	vadd.f32 v4, v16  }
0x107: {  	v15 =	vld [tilespmem:s19+$0x1A0];
	v8 =	vadd.f32 v9, v8;
	v9 =	vadd.f32 v12, v10  }
0x108: {  	v12 =	vld [tilespmem:s19+$0x1B0];
	v16 =	vadd.f32 v0, v6;
	v17 =	vadd.f32 v2, v4  }
0x109: {  	v0 =	vld [tilespmem:s19+$0x1C0];
	v11 =	vadd.f32 v11, v8;
	v13 =	vadd.f32 v13, v9  }
0x10a: {  	v2 =	vld [tilespmem:s19+$0x1D0]  }
0x10b: {  	v8 =	vld [tilespmem:s19+$0x100]  }
0x10c: {  	v9 =	vld [tilespmem:s19+$0x110]  }
0x10d: {  	v10 =	vld [tilespmem:s19+$0x120]  }
0x10e: {  	v19 =	vld [tilespmem:s19+$0x130]  }
0x10f: {  	v6 =	vld [tilespmem:s19+$0x140]  }
0x110: {  	v4 =	vld [tilespmem:s19+$0x150]  }
0x111: {  	v20 =	vld [tilespmem:s19+$0x80]  }
0x112: {  	v21 =	vld [tilespmem:s19+$0x90]  }
0x113: {  	v22 =	vld [tilespmem:s19+$0x0]  }
0x114: {  	v23 =	vld [tilespmem:s19+$0x10]  }
0x115: {  	v24 =	vld [tilespmem:s19+$0x20]  }
0x116: {  	v25 =	vld [tilespmem:s19+$0x30]  }
0x117: {  	v26 =	vld [tilespmem:s19+$0xA0]  }
0x118: {  	v27 =	vld [tilespmem:s19+$0xB0]  }
0x119: {  	v28 =	vld [tilespmem:s19+$0xC0]  }
0x11a: {  	v7 =	vadd.f32 v22, v7;
	v5 =	vadd.f32 v23, v5;
	v22 =	vld [tilespmem:s19+$0xD0]  }
0x11b: {  	v3 =	vadd.f32 v24, v3;
	v1 =	vadd.f32 v25, v1;
	v23 =	vld [tilespmem:s19+$0x40]  }
0x11c: {  	v7 =	vadd.f32 v20, v7;
	v5 =	vadd.f32 v21, v5;
	v24 =	vld [tilespmem:s19+$0x50]  }
0x11d: {  	v3 =	vadd.f32 v26, v3;
	v20 =	vld [tilespmem:s19+$0x60];
	v1 =	vadd.f32 v27, v1  }
0x11e: {  	s18 =	sadd.s32 $0x4, s18;
	v7 =	vadd.f32 v8, v7;
	v5 =	vadd.f32 v9, v5;
	v21 =	vld [tilespmem:s19+$0x70]  }
0x11f: {  	p0 =	slt.u32 s18, $0x7C;
	v3 =	vadd.f32 v10, v3;
	v8 =	vld [tilespmem:s19+$0xE0];
	v1 =	vadd.f32 v19, v1  }
.Ltmp3:
0x120: {  	v7 =	vadd.f32 v18, v7;
	v5 =	vadd.f32 v14, v5;
	v10 =	vld [tilespmem:s19+$0xF0];
	(pc) =	sbr.rel @p0 .LBB2_8-.Ltmp3, $4  }
0x121: {  	v3 =	vadd.f32 v15, v3;
	v9 =	vld [tilespmem:s19+$0x160];
	v1 =	vadd.f32 v12, v1  }
0x122: {  	v16 =	vadd.f32 v23, v16;
	v18 =	vadd.f32 v24, v17;
	v12 =	vld [tilespmem:s19+$0x170]  }
0x123: {  	v15 =	vadd.f32 v20, v11;
	v14 =	vadd.f32 v21, v13;
	v11 =	vld [tilespmem:s19+$0x1E0]  }
0x124: {  	v17 =	vadd.f32 v28, v16;
	v16 =	vadd.f32 v22, v18;
	v13 =	vld [tilespmem:s19+$0x1F0];
	s19 =	sadd.s32 $0x200, s19  }
0x125: {  	_ = 	snop  }
0x126: {  	v8 =	vadd.f32 v8, v15;
	[tilespmem:$0x10200] =	vst v7;
	v6 =	vadd.f32 v6, v17  }
0x127: {  	v59 =	vadd.f32 v10, v14;
	[tilespmem:$0x10210] =	vst v5;
	v4 =	vadd.f32 v4, v16  }
0x128: {  	[tilespmem:$0x10220] =	vst v3;
	v60 =	vadd.f32 v9, v8;
	v0 =	vadd.f32 v0, v6  }
0x129: {  	[tilespmem:$0x10230] =	vst v1;
	v61 =	vadd.f32 v12, v59;
	v2 =	vadd.f32 v2, v4  }
0x12a: {  	v62 =	vadd.f32 v11, v60;
	[tilespmem:$0x10240] =	vst v0  }
0x12b: {  	s17 =	sadd.s32 $0x1, s17;
	v63 =	vadd.f32 v13, v61;
	[tilespmem:$0x10250] =	vst v2  }
0x12c: {  	p0 =	sne.s32 s17, s6;
	[tilespmem:$0x10260] =	vst v62  }
.Ltmp4:
0x12d: {  	[tilespmem:$0x10270] =	vst v63;
	(pc) =	sbr.rel @p0 .LBB2_1-.Ltmp4, $4  }
0x12e: {  	[hbm4b:s5+s2] =	stream.linear.scatter [tilespmem:s16], [sflag:$0x2], $0x80, $0x38;
	[tilespmem:$0x10280] =	vst v63  }
0x12f: {  	_ =	swait.ge [sflag:s7], $0x80  }
0x130: {  	[sflag:s7] =	ssyncset.done $0x0  }
0x131: {  	[sflag:s7] =	ssyncadd.s32 $0xFFFFFF80  }
0x132: {  	_ =	sfence.sel $0x180000  }
0x133: {  	[bflag:$0x0] =	sbarrier.arrive $0xFFFF  }
0x134: {  	p0 =	sne.s32 s3, $0x0;
	_ =	strace $0x90000047  }
0x135: {  	s0 =	sadd.s32 @!p0 $0x100000, s0;
	[bflag:$0x2] =	sbarrier.arrive $0xFFFF  }
0x136: {  	[sflag:s0] =	ssyncadd.tile.s32 @!p0 $0x1;
	_ =	shalt  }
.Lfunc_end2:
_tile_overlayer_lowered:
.L_overlay_start_2:
0x137: {  	(tag) =	ssettag $0x2  }
0x138: {  	s0 =	rddreg [dreg:$0x0];
	s2 =	stileid.u32  }
0x139: {  	s1 =	rddreg [dreg:$0x1];
	p0 =	sne.s32 s2, $0x0  }
0x13a: {  	s3 =	rddreg [dreg:$0x2];
	[bflag:$0x3] =	sbarrier.arrive $0xFFFF;
	s2 =	simm.s32 @!p0 $0x1C02  }
0x13b: {  	[timem:s3], [sflag:s2] =	dma.local @!p0 [hbm:s0], s1  }
0x13c: {  	s0 =	simm.s32 @!p0 $0x2  }
0x13d: {  	_ =	swait.ge @!p0 [sflag:s0], s1  }
0x13e: {  	s1 =	ssub.s32 @!p0 $0x0, s1;
	[sflag:s0] =	ssyncset.done @!p0 $0x0  }
0x13f: {  	[sflag:s0] =	ssyncadd.s32 @!p0 s1  }
0x140: {  	[bflag:$0x3] =	sbarrier.arrive $0xFFFF  }
0x141: {  	_ =	shalt  }

</sc_bundles>
